<compile_context>
chip_gen: v7x
topology: tpu7x:2x2x1
jax: 0.10.2.dev20260603
libtpu: 0.0.44.dev20260713+nightly
codegen_flags: <defaults>
</compile_context>

<pallas_src>
import functools

import jax
import jax.numpy as jnp
from jax import lax
from jax.experimental import pallas as pl
from jax.experimental.pallas import tpu as pltpu
from jax.experimental.pallas import tpu_sc as plsc

B = 16384
K = 32
NUM_CORES = 2
NUM_SUBCORES = 16
NW = NUM_CORES * NUM_SUBCORES
BPW = B // NW
CH = 128


def _sc_dev_body(uid_hbm, iid_hbm, jid_hbm, user_hbm, item_hbm, dev_hbm,
                 uid_s, iid_s, jid_s, u_v, vi_v, vj_v, dev_v, sem, sem_i, sem_j):
    cid = lax.axis_index("c")
    sid = lax.axis_index("s")
    wid = sid * NUM_CORES + cid
    base = wid * BPW

    pltpu.sync_copy(uid_hbm.at[pl.ds(base, BPW)], uid_s)
    pltpu.sync_copy(iid_hbm.at[pl.ds(base, BPW)], iid_s)
    pltpu.sync_copy(jid_hbm.at[pl.ds(base, BPW)], jid_s)

    lane = lax.iota(jnp.int32, 16)

    def chunk_body(c, carry):
        cbase = c * CH

        def fetch_body(g, fcarry):
            idxu = uid_s[pl.ds(cbase + g * 16, 16)]
            idxi = iid_s[pl.ds(cbase + g * 16, 16)]
            idxj = jid_s[pl.ds(cbase + g * 16, 16)]
            for l in range(16):
                e = pl.ds(g * 16 + l, 1)
                pltpu.async_copy(user_hbm.at[pl.ds(idxu[l], 1), :], u_v.at[e, :], sem)
                pltpu.async_copy(item_hbm.at[pl.ds(idxi[l], 1), :], vi_v.at[e, :], sem_i)
                pltpu.async_copy(item_hbm.at[pl.ds(idxj[l], 1), :], vj_v.at[e, :], sem_j)
            return fcarry

        lax.fori_loop(0, CH // 16, fetch_body, 0)

        pltpu.make_async_copy(user_hbm.at[pl.ds(0, CH), :], u_v, sem).wait()
        pltpu.make_async_copy(item_hbm.at[pl.ds(0, CH), :], vi_v, sem_i).wait()
        pltpu.make_async_copy(item_hbm.at[pl.ds(0, CH), :], vj_v, sem_j).wait()

        def group_body(g, gcarry):
            row = lane + g * 16
            acc = jnp.zeros((16,), jnp.float32)
            for k in range(K):
                col = jnp.full((16,), k, jnp.int32)
                uk = plsc.load_gather(u_v, [row, col])
                vik = plsc.load_gather(vi_v, [row, col])
                vjk = plsc.load_gather(vj_v, [row, col])
                acc = acc + uk * (vik - vjk)
            dev_v[pl.ds(cbase + g * 16, 16)] = acc
            return gcarry

        lax.fori_loop(0, CH // 16, group_body, 0)
        return carry

    lax.fori_loop(0, BPW // CH, chunk_body, 0)

    pltpu.sync_copy(dev_v, dev_hbm.at[pl.ds(base, BPW)])


_sc_dev = functools.partial(
    pl.kernel,
    mesh=plsc.VectorSubcoreMesh(core_axis_name="c", subcore_axis_name="s"),
    out_type=jax.ShapeDtypeStruct((B,), jnp.float32),
    scratch_types=[
        pltpu.VMEM((BPW,), jnp.int32),
        pltpu.VMEM((BPW,), jnp.int32),
        pltpu.VMEM((BPW,), jnp.int32),
        pltpu.VMEM((CH, K), jnp.float32),
        pltpu.VMEM((CH, K), jnp.float32),
        pltpu.VMEM((CH, K), jnp.float32),
        pltpu.VMEM((BPW,), jnp.float32),
        pltpu.SemaphoreType.DMA,
        pltpu.SemaphoreType.DMA,
        pltpu.SemaphoreType.DMA,
    ],
    compiler_params=pltpu.CompilerParams(needs_layout_passes=False),
)(_sc_dev_body)


def _tc_loss_body(dev_ref, o_ref):
    t = -dev_ref[...]
    sp = jnp.maximum(t, 0.0) + jnp.log1p(jnp.exp(-jnp.abs(t)))
    o_ref[0, 0] = jnp.sum(sp)


def _tc_loss(dev2d):
    return pl.pallas_call(
        _tc_loss_body,
        out_shape=jax.ShapeDtypeStruct((1, 1), jnp.float32),
        in_specs=[pl.BlockSpec(memory_space=pltpu.VMEM)],
        out_specs=pl.BlockSpec(memory_space=pltpu.SMEM),
    )(dev2d)


def kernel(uid, iid, jid, user_matrix, item_matrix):
    uid = uid.astype(jnp.int32)
    iid = iid.astype(jnp.int32)
    jid = jid.astype(jnp.int32)
    dev = _sc_dev(uid, iid, jid, user_matrix, item_matrix)
    loss = _tc_loss(dev.reshape(128, 128))
    return loss[0, 0]

# --- scband reference (transcript-rebuilt; emitter-appended) ---
"""Pipeline reference for scband-bpr-44890998178329 (READ-ONLY COPY).

The authoritative reference and input builder live on the scoring server;
editing this copy changes nothing except your own understanding.
"""

import jax, jax.numpy as jnp
import numpy as np

USZ = 1000000
ISZ = 1000000
K = 32
B = 16384

def setup_inputs(seed: int = 0) -> dict:
    key = jax.random.key(seed)
    k1, k2, k3, k4, k5 = jax.random.split(key, 5)
    uid = jax.random.randint(k1, (B,), 0, USZ, dtype=jnp.int64) if jax.config.jax_enable_x64 else jax.random.randint(k1, (B,), 0, USZ).astype(jnp.int32)
    iid = jax.random.randint(k2, (B,), 0, ISZ).astype(uid.dtype)
    jid = jax.random.randint(k3, (B,), 0, ISZ).astype(uid.dtype)
    user_matrix = jax.random.normal(k4, (USZ, K), dtype=jnp.float32) * 0.01
    item_matrix = jax.random.normal(k5, (ISZ, K), dtype=jnp.float32) * 0.01
    return {"uid": uid, "iid": iid, "jid": jid, "user_matrix": user_matrix, "item_matrix": item_matrix}

def reference(uid, iid, jid, user_matrix, item_matrix):
    # predict(uid, iid): sum(user_matrix(uid) * item_matrix(iid), dim=1)
    u = jnp.take(user_matrix, uid, axis=0)
    vi = jnp.take(item_matrix, iid, axis=0)
    vj = jnp.take(item_matrix, jid, axis=0)
    pre_i = jnp.sum(u * vi, axis=1)
    pre_j = jnp.sum(u * vj, axis=1)
    dev = pre_i - pre_j
    # bpr_loss = sum(softplus(-dev))
    loss = jnp.sum(jax.nn.softplus(-dev))
    return loss

if __name__ == "__main__":
    import jax
    _d = setup_inputs()
    print(jax.jit(kernel)(*tuple(_d.values())))

</pallas_src>

<mosaic_0001>
#map = affine_map<(d0, d1) -> (0)>
#map1 = affine_map<(d0, d1) -> (0, 0)>
module attributes {stable_mosaic.version = 14 : i64} {
  func.func @_sc_dev_body(%arg0: i32, %arg1: i32, %arg2: memref<16384xi32, #tpu.memory_space<hbm>>, %arg3: memref<16384xi32, #tpu.memory_space<hbm>>, %arg4: memref<16384xi32, #tpu.memory_space<hbm>>, %arg5: memref<1000000x32xf32, #tpu.memory_space<hbm>>, %arg6: memref<1000000x32xf32, #tpu.memory_space<hbm>>, %arg7: memref<16384xf32, #tpu.memory_space<hbm>>, %arg8: memref<512xi32, #tpu.memory_space<vmem>>, %arg9: memref<512xi32, #tpu.memory_space<vmem>>, %arg10: memref<512xi32, #tpu.memory_space<vmem>>, %arg11: memref<128x32xf32, #tpu.memory_space<vmem>>, %arg12: memref<128x32xf32, #tpu.memory_space<vmem>>, %arg13: memref<128x32xf32, #tpu.memory_space<vmem>>, %arg14: memref<512xf32, #tpu.memory_space<vmem>>, %arg15: memref<!tpu.dma_semaphore, #tpu.memory_space<semaphore_mem>>, %arg16: memref<!tpu.dma_semaphore, #tpu.memory_space<semaphore_mem>>, %arg17: memref<!tpu.dma_semaphore, #tpu.memory_space<semaphore_mem>>) attributes {dimension_semantics = [#tpu.dimension_semantics<core_parallel>, #tpu.dimension_semantics<subcore_parallel>], iteration_bounds = array<i64: 2, 16>, scalar_prefetch = 0 : i64, scratch_operands = 10 : i64, tpu.core_type = #tpu.core_type<sc_vector_subcore>, window_params = [{transform_indices = #map}, {transform_indices = #map}, {transform_indices = #map}, {transform_indices = #map1}, {transform_indices = #map1}, {transform_indices = #map}]} {
    %mul3A = arith.constant 2 : i32
    %mul3A_0 = arith.muli %arg1, %mul3A : i32
    %add3A = arith.addi %mul3A_0, %arg0 : i32
    %mul3A_1 = arith.constant 512 : i32
    %mul3A_2 = arith.muli %add3A, %mul3A_1 : i32
    "tpu.region"() ({
      %run_scoped3A = tpu.sem_alloc : memref<!tpu.dma_semaphore, #tpu.memory_space<semaphore_mem>>
      %dma_start3A = tpu.memref_slice %arg2[%mul3A_2] : memref<16384xi32, #tpu.memory_space<hbm>> -> memref<512xi32, #tpu.memory_space<hbm>>
      %dma_start3A_8 = tpu.memref_slice %arg2[%mul3A_2] : memref<16384xi32, #tpu.memory_space<hbm>> -> memref<512xi32, #tpu.memory_space<hbm>>
      tpu.enqueue_dma source(%dma_start3A_8 : memref<512xi32, #tpu.memory_space<hbm>>) target(%arg8 : memref<512xi32, #tpu.memory_space<vmem>>) target_semaphore(%run_scoped3A : memref<!tpu.dma_semaphore, #tpu.memory_space<semaphore_mem>>)
      %dma_wait3A = tpu.memref_slice %arg2[%mul3A_2] : memref<16384xi32, #tpu.memory_space<hbm>> -> memref<512xi32, #tpu.memory_space<hbm>>
      %dma_wait3A_9 = tpu.memref_slice %arg2[%mul3A_2] : memref<16384xi32, #tpu.memory_space<hbm>> -> memref<512xi32, #tpu.memory_space<hbm>>
      tpu.wait_dma2 semaphore(%run_scoped3A : memref<!tpu.dma_semaphore, #tpu.memory_space<semaphore_mem>>) src(%dma_wait3A_9 : memref<512xi32, #tpu.memory_space<hbm>>) dst(%arg8 : memref<512xi32, #tpu.memory_space<vmem>>)
      tpu.yield
    }) : () -> ()
    "tpu.region"() ({
      %run_scoped3A = tpu.sem_alloc : memref<!tpu.dma_semaphore, #tpu.memory_space<semaphore_mem>>
      %dma_start3A = tpu.memref_slice %arg3[%mul3A_2] : memref<16384xi32, #tpu.memory_space<hbm>> -> memref<512xi32, #tpu.memory_space<hbm>>
      %dma_start3A_8 = tpu.memref_slice %arg3[%mul3A_2] : memref<16384xi32, #tpu.memory_space<hbm>> -> memref<512xi32, #tpu.memory_space<hbm>>
      tpu.enqueue_dma source(%dma_start3A_8 : memref<512xi32, #tpu.memory_space<hbm>>) target(%arg9 : memref<512xi32, #tpu.memory_space<vmem>>) target_semaphore(%run_scoped3A : memref<!tpu.dma_semaphore, #tpu.memory_space<semaphore_mem>>)
      %dma_wait3A = tpu.memref_slice %arg3[%mul3A_2] : memref<16384xi32, #tpu.memory_space<hbm>> -> memref<512xi32, #tpu.memory_space<hbm>>
      %dma_wait3A_9 = tpu.memref_slice %arg3[%mul3A_2] : memref<16384xi32, #tpu.memory_space<hbm>> -> memref<512xi32, #tpu.memory_space<hbm>>
      tpu.wait_dma2 semaphore(%run_scoped3A : memref<!tpu.dma_semaphore, #tpu.memory_space<semaphore_mem>>) src(%dma_wait3A_9 : memref<512xi32, #tpu.memory_space<hbm>>) dst(%arg9 : memref<512xi32, #tpu.memory_space<vmem>>)
      tpu.yield
    }) : () -> ()
    "tpu.region"() ({
      %run_scoped3A = tpu.sem_alloc : memref<!tpu.dma_semaphore, #tpu.memory_space<semaphore_mem>>
      %dma_start3A = tpu.memref_slice %arg4[%mul3A_2] : memref<16384xi32, #tpu.memory_space<hbm>> -> memref<512xi32, #tpu.memory_space<hbm>>
      %dma_start3A_8 = tpu.memref_slice %arg4[%mul3A_2] : memref<16384xi32, #tpu.memory_space<hbm>> -> memref<512xi32, #tpu.memory_space<hbm>>
      tpu.enqueue_dma source(%dma_start3A_8 : memref<512xi32, #tpu.memory_space<hbm>>) target(%arg10 : memref<512xi32, #tpu.memory_space<vmem>>) target_semaphore(%run_scoped3A : memref<!tpu.dma_semaphore, #tpu.memory_space<semaphore_mem>>)
      %dma_wait3A = tpu.memref_slice %arg4[%mul3A_2] : memref<16384xi32, #tpu.memory_space<hbm>> -> memref<512xi32, #tpu.memory_space<hbm>>
      %dma_wait3A_9 = tpu.memref_slice %arg4[%mul3A_2] : memref<16384xi32, #tpu.memory_space<hbm>> -> memref<512xi32, #tpu.memory_space<hbm>>
      tpu.wait_dma2 semaphore(%run_scoped3A : memref<!tpu.dma_semaphore, #tpu.memory_space<semaphore_mem>>) src(%dma_wait3A_9 : memref<512xi32, #tpu.memory_space<hbm>>) dst(%arg10 : memref<512xi32, #tpu.memory_space<vmem>>)
      tpu.yield
    }) : () -> ()
    %iota3A = tpu.iota {dimensions = array<i32: 0>} : vector<16xi32>
    %scan3A = arith.constant 0 : i32
    %scan3A_3 = arith.constant 0 : i32
    %scan3A_4 = arith.constant 4 : i32
    %scan3A_5 = arith.addi %scan3A_3, %scan3A_4 : i32
    %scan3A_6 = arith.constant 1 : i32
    scf.for %scan3A_8 = %scan3A_3 to %scan3A_5 step %scan3A_6  : i32 {
      %mul3A_9 = arith.constant 128 : i32
      %mul3A_10 = arith.muli %scan3A_8, %mul3A_9 : i32
      %scan3A_11 = arith.constant 0 : i32
      %scan3A_12 = arith.constant 0 : i32
      %scan3A_13 = arith.constant 8 : i32
      %scan3A_14 = arith.addi %scan3A_12, %scan3A_13 : i32
      %scan3A_15 = arith.constant 1 : i32
      scf.for %scan3A_40 = %scan3A_12 to %scan3A_14 step %scan3A_15  : i32 {
        %mul3A_41 = arith.constant 16 : i32
        %mul3A_42 = arith.muli %scan3A_40, %mul3A_41 : i32
        %add3A_43 = arith.addi %mul3A_10, %mul3A_42 : i32
        %get3A = arith.index_cast %add3A_43 : i32 to index
        %get3A_44 = tpu.vector_load %arg8[%get3A] {strides = array<i32>} : memref<512xi32, #tpu.memory_space<vmem>>, vector<16xi32>,
        %mul3A_45 = arith.constant 16 : i32
        %mul3A_46 = arith.muli %scan3A_40, %mul3A_45 : i32
        %add3A_47 = arith.addi %mul3A_10, %mul3A_46 : i32
        %get3A_48 = arith.index_cast %add3A_47 : i32 to index
        %get3A_49 = tpu.vector_load %arg9[%get3A_48] {strides = array<i32>} : memref<512xi32, #tpu.memory_space<vmem>>, vector<16xi32>,
        %mul3A_50 = arith.constant 16 : i32
        %mul3A_51 = arith.muli %scan3A_40, %mul3A_50 : i32
        %add3A_52 = arith.addi %mul3A_10, %mul3A_51 : i32
        %get3A_53 = arith.index_cast %add3A_52 : i32 to index
        %get3A_54 = tpu.vector_load %arg10[%get3A_53] {strides = array<i32>} : memref<512xi32, #tpu.memory_space<vmem>>, vector<16xi32>,
        %mul3A_55 = arith.constant 16 : i32
        %mul3A_56 = arith.muli %scan3A_40, %mul3A_55 : i32
        %add3A_57 = arith.constant 0 : i32
        %add3A_58 = arith.addi %mul3A_56, %add3A_57 : i32
        %slice3A = vector.extract_strided_slice %get3A_44 {offsets = [0], sizes = [1], strides = [1]} : vector<16xi32> to vector<1xi32>
        %squeeze3A = vector.extract %slice3A[0] : i32 from vector<1xi32>
        %dma_start3A = arith.constant 0 : i32
        %dma_start3A_59 = tpu.memref_slice %arg11[%add3A_58, %dma_start3A] : memref<128x32xf32, #tpu.memory_space<vmem>> -> memref<1x32xf32, #tpu.memory_space<vmem>>
        %dma_start3A_60 = arith.constant 0 : i32
        %dma_start3A_61 = tpu.memref_slice %arg5[%squeeze3A, %dma_start3A_60] : memref<1000000x32xf32, #tpu.memory_space<hbm>> -> memref<1x32xf32, #tpu.memory_space<hbm>>
        %dma_start3A_62 = arith.constant 0 : i32
        %dma_start3A_63 = tpu.memref_slice %arg11[%add3A_58, %dma_start3A_62] : memref<128x32xf32, #tpu.memory_space<vmem>> -> memref<1x32xf32, #tpu.memory_space<vmem>>
        %dma_start3A_64 = arith.constant 0 : i32
        %dma_start3A_65 = tpu.memref_slice %arg5[%squeeze3A, %dma_start3A_64] : memref<1000000x32xf32, #tpu.memory_space<hbm>> -> memref<1x32xf32, #tpu.memory_space<hbm>>
        tpu.enqueue_dma source(%dma_start3A_65 : memref<1x32xf32, #tpu.memory_space<hbm>>) target(%dma_start3A_63 : memref<1x32xf32, #tpu.memory_space<vmem>>) target_semaphore(%arg15 : memref<!tpu.dma_semaphore, #tpu.memory_space<semaphore_mem>>)
        %slice3A_66 = vector.extract_strided_slice %get3A_49 {offsets = [0], sizes = [1], strides = [1]} : vector<16xi32> to vector<1xi32>
        %squeeze3A_67 = vector.extract %slice3A_66[0] : i32 from vector<1xi32>
        %dma_start3A_68 = arith.constant 0 : i32
        %dma_start3A_69 = tpu.memref_slice %arg12[%add3A_58, %dma_start3A_68] : memref<128x32xf32, #tpu.memory_space<vmem>> -> memref<1x32xf32, #tpu.memory_space<vmem>>
        %dma_start3A_70 = arith.constant 0 : i32
        %dma_start3A_71 = tpu.memref_slice %arg6[%squeeze3A_67, %dma_start3A_70] : memref<1000000x32xf32, #tpu.memory_space<hbm>> -> memref<1x32xf32, #tpu.memory_space<hbm>>
        %dma_start3A_72 = arith.constant 0 : i32
        %dma_start3A_73 = tpu.memref_slice %arg12[%add3A_58, %dma_start3A_72] : memref<128x32xf32, #tpu.memory_space<vmem>> -> memref<1x32xf32, #tpu.memory_space<vmem>>
        %dma_start3A_74 = arith.constant 0 : i32
        %dma_start3A_75 = tpu.memref_slice %arg6[%squeeze3A_67, %dma_start3A_74] : memref<1000000x32xf32, #tpu.memory_space<hbm>> -> memref<1x32xf32, #tpu.memory_space<hbm>>
        tpu.enqueue_dma source(%dma_start3A_75 : memref<1x32xf32, #tpu.memory_space<hbm>>) target(%dma_start3A_73 : memref<1x32xf32, #tpu.memory_space<vmem>>) target_semaphore(%arg16 : memref<!tpu.dma_semaphore, #tpu.memory_space<semaphore_mem>>)
        %slice3A_76 = vector.extract_strided_slice %get3A_54 {offsets = [0], sizes = [1], strides = [1]} : vector<16xi32> to vector<1xi32>
        %squeeze3A_77 = vector.extract %slice3A_76[0] : i32 from vector<1xi32>
        %dma_start3A_78 = arith.constant 0 : i32
        %dma_start3A_79 = tpu.memref_slice %arg13[%add3A_58, %dma_start3A_78] : memref<128x32xf32, #tpu.memory_space<vmem>> -> memref<1x32xf32, #tpu.memory_space<vmem>>
        %dma_start3A_80 = arith.constant 0 : i32
        %dma_start3A_81 = tpu.memref_slice %arg6[%squeeze3A_77, %dma_start3A_80] : memref<1000000x32xf32, #tpu.memory_space<hbm>> -> memref<1x32xf32, #tpu.memory_space<hbm>>
        %dma_start3A_82 = arith.constant 0 : i32
        %dma_start3A_83 = tpu.memref_slice %arg13[%add3A_58, %dma_start3A_82] : memref<128x32xf32, #tpu.memory_space<vmem>> -> memref<1x32xf32, #tpu.memory_space<vmem>>
        %dma_start3A_84 = arith.constant 0 : i32
        %dma_start3A_85 = tpu.memref_slice %arg6[%squeeze3A_77, %dma_start3A_84] : memref<1000000x32xf32, #tpu.memory_space<hbm>> -> memref<1x32xf32, #tpu.memory_space<hbm>>
        tpu.enqueue_dma source(%dma_start3A_85 : memref<1x32xf32, #tpu.memory_space<hbm>>) target(%dma_start3A_83 : memref<1x32xf32, #tpu.memory_space<vmem>>) target_semaphore(%arg17 : memref<!tpu.dma_semaphore, #tpu.memory_space<semaphore_mem>>)
        %mul3A_86 = arith.constant 16 : i32
        %mul3A_87 = arith.muli %scan3A_40, %mul3A_86 : i32
        %add3A_88 = arith.constant 1 : i32
        %add3A_89 = arith.addi %mul3A_87, %add3A_88 : i32
        %slice3A_90 = vector.extract_strided_slice %get3A_44 {offsets = [1], sizes = [1], strides = [1]} : vector<16xi32> to vector<1xi32>
        %squeeze3A_91 = vector.extract %slice3A_90[0] : i32 from vector<1xi32>
        %dma_start3A_92 = arith.constant 0 : i32
        %dma_start3A_93 = tpu.memref_slice %arg11[%add3A_89, %dma_start3A_92] : memref<128x32xf32, #tpu.memory_space<vmem>> -> memref<1x32xf32, #tpu.memory_space<vmem>>
        %dma_start3A_94 = arith.constant 0 : i32
        %dma_start3A_95 = tpu.memref_slice %arg5[%squeeze3A_91, %dma_start3A_94] : memref<1000000x32xf32, #tpu.memory_space<hbm>> -> memref<1x32xf32, #tpu.memory_space<hbm>>
        %dma_start3A_96 = arith.constant 0 : i32
        %dma_start3A_97 = tpu.memref_slice %arg11[%add3A_89, %dma_start3A_96] : memref<128x32xf32, #tpu.memory_space<vmem>> -> memref<1x32xf32, #tpu.memory_space<vmem>>
        %dma_start3A_98 = arith.constant 0 : i32
        %dma_start3A_99 = tpu.memref_slice %arg5[%squeeze3A_91, %dma_start3A_98] : memref<1000000x32xf32, #tpu.memory_space<hbm>> -> memref<1x32xf32, #tpu.memory_space<hbm>>
        tpu.enqueue_dma source(%dma_start3A_99 : memref<1x32xf32, #tpu.memory_space<hbm>>) target(%dma_start3A_97 : memref<1x32xf32, #tpu.memory_space<vmem>>) target_semaphore(%arg15 : memref<!tpu.dma_semaphore, #tpu.memory_space<semaphore_mem>>)
        %slice3A_100 = vector.extract_strided_slice %get3A_49 {offsets = [1], sizes = [1], strides = [1]} : vector<16xi32> to vector<1xi32>
        %squeeze3A_101 = vector.extract %slice3A_100[0] : i32 from vector<1xi32>
        %dma_start3A_102 = arith.constant 0 : i32
        %dma_start3A_103 = tpu.memref_slice %arg12[%add3A_89, %dma_start3A_102] : memref<128x32xf32, #tpu.memory_space<vmem>> -> memref<1x32xf32, #tpu.memory_space<vmem>>
        %dma_start3A_104 = arith.constant 0 : i32
        %dma_start3A_105 = tpu.memref_slice %arg6[%squeeze3A_101, %dma_start3A_104] : memref<1000000x32xf32, #tpu.memory_space<hbm>> -> memref<1x32xf32, #tpu.memory_space<hbm>>
        %dma_start3A_106 = arith.constant 0 : i32
        %dma_start3A_107 = tpu.memref_slice %arg12[%add3A_89, %dma_start3A_106] : memref<128x32xf32, #tpu.memory_space<vmem>> -> memref<1x32xf32, #tpu.memory_space<vmem>>
        %dma_start3A_108 = arith.constant 0 : i32
        %dma_start3A_109 = tpu.memref_slice %arg6[%squeeze3A_101, %dma_start3A_108] : memref<1000000x32xf32, #tpu.memory_space<hbm>> -> memref<1x32xf32, #tpu.memory_space<hbm>>
        tpu.enqueue_dma source(%dma_start3A_109 : memref<1x32xf32, #tpu.memory_space<hbm>>) target(%dma_start3A_107 : memref<1x32xf32, #tpu.memory_space<vmem>>) target_semaphore(%arg16 : memref<!tpu.dma_semaphore, #tpu.memory_space<semaphore_mem>>)
        %slice3A_110 = vector.extract_strided_slice %get3A_54 {offsets = [1], sizes = [1], strides = [1]} : vector<16xi32> to vector<1xi32>
        %squeeze3A_111 = vector.extract %slice3A_110[0] : i32 from vector<1xi32>
        %dma_start3A_112 = arith.constant 0 : i32
        %dma_start3A_113 = tpu.memref_slice %arg13[%add3A_89, %dma_start3A_112] : memref<128x32xf32, #tpu.memory_space<vmem>> -> memref<1x32xf32, #tpu.memory_space<vmem>>
        %dma_start3A_114 = arith.constant 0 : i32
        %dma_start3A_115 = tpu.memref_slice %arg6[%squeeze3A_111, %dma_start3A_114] : memref<1000000x32xf32, #tpu.memory_space<hbm>> -> memref<1x32xf32, #tpu.memory_space<hbm>>
        %dma_start3A_116 = arith.constant 0 : i32
        %dma_start3A_117 = tpu.memref_slice %arg13[%add3A_89, %dma_start3A_116] : memref<128x32xf32, #tpu.memory_space<vmem>> -> memref<1x32xf32, #tpu.memory_space<vmem>>
        %dma_start3A_118 = arith.constant 0 : i32
        %dma_start3A_119 = tpu.memref_slice %arg6[%squeeze3A_111, %dma_start3A_118] : memref<1000000x32xf32, #tpu.memory_space<hbm>> -> memref<1x32xf32, #tpu.memory_space<hbm>>
        tpu.enqueue_dma source(%dma_start3A_119 : memref<1x32xf32, #tpu.memory_space<hbm>>) target(%dma_start3A_117 : memref<1x32xf32, #tpu.memory_space<vmem>>) target_semaphore(%arg17 : memref<!tpu.dma_semaphore, #tpu.memory_space<semaphore_mem>>)
        %mul3A_120 = arith.constant 16 : i32
        %mul3A_121 = arith.muli %scan3A_40, %mul3A_120 : i32
        %add3A_122 = arith.constant 2 : i32
        %add3A_123 = arith.addi %mul3A_121, %add3A_122 : i32
        %slice3A_124 = vector.extract_strided_slice %get3A_44 {offsets = [2], sizes = [1], strides = [1]} : vector<16xi32> to vector<1xi32>
        %squeeze3A_125 = vector.extract %slice3A_124[0] : i32 from vector<1xi32>
        %dma_start3A_126 = arith.constant 0 : i32
        %dma_start3A_127 = tpu.memref_slice %arg11[%add3A_123, %dma_start3A_126] : memref<128x32xf32, #tpu.memory_space<vmem>> -> memref<1x32xf32, #tpu.memory_space<vmem>>
        %dma_start3A_128 = arith.constant 0 : i32
        %dma_start3A_129 = tpu.memref_slice %arg5[%squeeze3A_125, %dma_start3A_128] : memref<1000000x32xf32, #tpu.memory_space<hbm>> -> memref<1x32xf32, #tpu.memory_space<hbm>>
        %dma_start3A_130 = arith.constant 0 : i32
        %dma_start3A_131 = tpu.memref_slice %arg11[%add3A_123, %dma_start3A_130] : memref<128x32xf32, #tpu.memory_space<vmem>> -> memref<1x32xf32, #tpu.memory_space<vmem>>
        %dma_start3A_132 = arith.constant 0 : i32
        %dma_start3A_133 = tpu.memref_slice %arg5[%squeeze3A_125, %dma_start3A_132] : memref<1000000x32xf32, #tpu.memory_space<hbm>> -> memref<1x32xf32, #tpu.memory_space<hbm>>
        tpu.enqueue_dma source(%dma_start3A_133 : memref<1x32xf32, #tpu.memory_space<hbm>>) target(%dma_start3A_131 : memref<1x32xf32, #tpu.memory_space<vmem>>) target_semaphore(%arg15 : memref<!tpu.dma_semaphore, #tpu.memory_space<semaphore_mem>>)
        %slice3A_134 = vector.extract_strided_slice %get3A_49 {offsets = [2], sizes = [1], strides = [1]} : vector<16xi32> to vector<1xi32>
        %squeeze3A_135 = vector.extract %slice3A_134[0] : i32 from vector<1xi32>
        %dma_start3A_136 = arith.constant 0 : i32
        %dma_start3A_137 = tpu.memref_slice %arg12[%add3A_123, %dma_start3A_136] : memref<128x32xf32, #tpu.memory_space<vmem>> -> memref<1x32xf32, #tpu.memory_space<vmem>>
        %dma_start3A_138 = arith.constant 0 : i32
        %dma_start3A_139 = tpu.memref_slice %arg6[%squeeze3A_135, %dma_start3A_138] : memref<1000000x32xf32, #tpu.memory_space<hbm>> -> memref<1x32xf32, #tpu.memory_space<hbm>>
        %dma_start3A_140 = arith.constant 0 : i32
        %dma_start3A_141 = tpu.memref_slice %arg12[%add3A_123, %dma_start3A_140] : memref<128x32xf32, #tpu.memory_space<vmem>> -> memref<1x32xf32, #tpu.memory_space<vmem>>
        %dma_start3A_142 = arith.constant 0 : i32
        %dma_start3A_143 = tpu.memref_slice %arg6[%squeeze3A_135, %dma_start3A_142] : memref<1000000x32xf32, #tpu.memory_space<hbm>> -> memref<1x32xf32, #tpu.memory_space<hbm>>
        tpu.enqueue_dma source(%dma_start3A_143 : memref<1x32xf32, #tpu.memory_space<hbm>>) target(%dma_start3A_141 : memref<1x32xf32, #tpu.memory_space<vmem>>) target_semaphore(%arg16 : memref<!tpu.dma_semaphore, #tpu.memory_space<semaphore_mem>>)
        %slice3A_144 = vector.extract_strided_slice %get3A_54 {offsets = [2], sizes = [1], strides = [1]} : vector<16xi32> to vector<1xi32>
        %squeeze3A_145 = vector.extract %slice3A_144[0] : i32 from vector<1xi32>
        %dma_start3A_146 = arith.constant 0 : i32
        %dma_start3A_147 = tpu.memref_slice %arg13[%add3A_123, %dma_start3A_146] : memref<128x32xf32, #tpu.memory_space<vmem>> -> memref<1x32xf32, #tpu.memory_space<vmem>>
        %dma_start3A_148 = arith.constant 0 : i32
        %dma_start3A_149 = tpu.memref_slice %arg6[%squeeze3A_145, %dma_start3A_148] : memref<1000000x32xf32, #tpu.memory_space<hbm>> -> memref<1x32xf32, #tpu.memory_space<hbm>>
        %dma_start3A_150 = arith.constant 0 : i32
        %dma_start3A_151 = tpu.memref_slice %arg13[%add3A_123, %dma_start3A_150] : memref<128x32xf32, #tpu.memory_space<vmem>> -> memref<1x32xf32, #tpu.memory_space<vmem>>
        %dma_start3A_152 = arith.constant 0 : i32
        %dma_start3A_153 = tpu.memref_slice %arg6[%squeeze3A_145, %dma_start3A_152] : memref<1000000x32xf32, #tpu.memory_space<hbm>> -> memref<1x32xf32, #tpu.memory_space<hbm>>
        tpu.enqueue_dma source(%dma_start3A_153 : memref<1x32xf32, #tpu.memory_space<hbm>>) target(%dma_start3A_151 : memref<1x32xf32, #tpu.memory_space<vmem>>) target_semaphore(%arg17 : memref<!tpu.dma_semaphore, #tpu.memory_space<semaphore_mem>>)
        %mul3A_154 = arith.constant 16 : i32
        %mul3A_155 = arith.muli %scan3A_40, %mul3A_154 : i32
        %add3A_156 = arith.constant 3 : i32
        %add3A_157 = arith.addi %mul3A_155, %add3A_156 : i32
        %slice3A_158 = vector.extract_strided_slice %get3A_44 {offsets = [3], sizes = [1], strides = [1]} : vector<16xi32> to vector<1xi32>
        %squeeze3A_159 = vector.extract %slice3A_158[0] : i32 from vector<1xi32>
        %dma_start3A_160 = arith.constant 0 : i32
        %dma_start3A_161 = tpu.memref_slice %arg11[%add3A_157, %dma_start3A_160] : memref<128x32xf32, #tpu.memory_space<vmem>> -> memref<1x32xf32, #tpu.memory_space<vmem>>
        %dma_start3A_162 = arith.constant 0 : i32
        %dma_start3A_163 = tpu.memref_slice %arg5[%squeeze3A_159, %dma_start3A_162] : memref<1000000x32xf32, #tpu.memory_space<hbm>> -> memref<1x32xf32, #tpu.memory_space<hbm>>
        %dma_start3A_164 = arith.constant 0 : i32
        %dma_start3A_165 = tpu.memref_slice %arg11[%add3A_157, %dma_start3A_164] : memref<128x32xf32, #tpu.memory_space<vmem>> -> memref<1x32xf32, #tpu.memory_space<vmem>>
        %dma_start3A_166 = arith.constant 0 : i32
        %dma_start3A_167 = tpu.memref_slice %arg5[%squeeze3A_159, %dma_start3A_166] : memref<1000000x32xf32, #tpu.memory_space<hbm>> -> memref<1x32xf32, #tpu.memory_space<hbm>>
        tpu.enqueue_dma source(%dma_start3A_167 : memref<1x32xf32, #tpu.memory_space<hbm>>) target(%dma_start3A_165 : memref<1x32xf32, #tpu.memory_space<vmem>>) target_semaphore(%arg15 : memref<!tpu.dma_semaphore, #tpu.memory_space<semaphore_mem>>)
        %slice3A_168 = vector.extract_strided_slice %get3A_49 {offsets = [3], sizes = [1], strides = [1]} : vector<16xi32> to vector<1xi32>
        %squeeze3A_169 = vector.extract %slice3A_168[0] : i32 from vector<1xi32>
        %dma_start3A_170 = arith.constant 0 : i32
        %dma_start3A_171 = tpu.memref_slice %arg12[%add3A_157, %dma_start3A_170] : memref<128x32xf32, #tpu.memory_space<vmem>> -> memref<1x32xf32, #tpu.memory_space<vmem>>
        %dma_start3A_172 = arith.constant 0 : i32
        %dma_start3A_173 = tpu.memref_slice %arg6[%squeeze3A_169, %dma_start3A_172] : memref<1000000x32xf32, #tpu.memory_space<hbm>> -> memref<1x32xf32, #tpu.memory_space<hbm>>
        %dma_start3A_174 = arith.constant 0 : i32
        %dma_start3A_175 = tpu.memref_slice %arg12[%add3A_157, %dma_start3A_174] : memref<128x32xf32, #tpu.memory_space<vmem>> -> memref<1x32xf32, #tpu.memory_space<vmem>>
        %dma_start3A_176 = arith.constant 0 : i32
        %dma_start3A_177 = tpu.memref_slice %arg6[%squeeze3A_169, %dma_start3A_176] : memref<1000000x32xf32, #tpu.memory_space<hbm>> -> memref<1x32xf32, #tpu.memory_space<hbm>>
        tpu.enqueue_dma source(%dma_start3A_177 : memref<1x32xf32, #tpu.memory_space<hbm>>) target(%dma_start3A_175 : memref<1x32xf32, #tpu.memory_space<vmem>>) target_semaphore(%arg16 : memref<!tpu.dma_semaphore, #tpu.memory_space<semaphore_mem>>)
        %slice3A_178 = vector.extract_strided_slice %get3A_54 {offsets = [3], sizes = [1], strides = [1]} : vector<16xi32> to vector<1xi32>
        %squeeze3A_179 = vector.extract %slice3A_178[0] : i32 from vector<1xi32>
        %dma_start3A_180 = arith.constant 0 : i32
        %dma_start3A_181 = tpu.memref_slice %arg13[%add3A_157, %dma_start3A_180] : memref<128x32xf32, #tpu.memory_space<vmem>> -> memref<1x32xf32, #tpu.memory_space<vmem>>
        %dma_start3A_182 = arith.constant 0 : i32
        %dma_start3A_183 = tpu.memref_slice %arg6[%squeeze3A_179, %dma_start3A_182] : memref<1000000x32xf32, #tpu.memory_space<hbm>> -> memref<1x32xf32, #tpu.memory_space<hbm>>
        %dma_start3A_184 = arith.constant 0 : i32
        %dma_start3A_185 = tpu.memref_slice %arg13[%add3A_157, %dma_start3A_184] : memref<128x32xf32, #tpu.memory_space<vmem>> -> memref<1x32xf32, #tpu.memory_space<vmem>>
        %dma_start3A_186 = arith.constant 0 : i32
        %dma_start3A_187 = tpu.memref_slice %arg6[%squeeze3A_179, %dma_start3A_186] : memref<1000000x32xf32, #tpu.memory_space<hbm>> -> memref<1x32xf32, #tpu.memory_space<hbm>>
        tpu.enqueue_dma source(%dma_start3A_187 : memref<1x32xf32, #tpu.memory_space<hbm>>) target(%dma_start3A_185 : memref<1x32xf32, #tpu.memory_space<vmem>>) target_semaphore(%arg17 : memref<!tpu.dma_semaphore, #tpu.memory_space<semaphore_mem>>)
        %mul3A_188 = arith.constant 16 : i32
        %mul3A_189 = arith.muli %scan3A_40, %mul3A_188 : i32
        %add3A_190 = arith.constant 4 : i32
        %add3A_191 = arith.addi %mul3A_189, %add3A_190 : i32
        %slice3A_192 = vector.extract_strided_slice %get3A_44 {offsets = [4], sizes = [1], strides = [1]} : vector<16xi32> to vector<1xi32>
        %squeeze3A_193 = vector.extract %slice3A_192[0] : i32 from vector<1xi32>
        %dma_start3A_194 = arith.constant 0 : i32
        %dma_start3A_195 = tpu.memref_slice %arg11[%add3A_191, %dma_start3A_194] : memref<128x32xf32, #tpu.memory_space<vmem>> -> memref<1x32xf32, #tpu.memory_space<vmem>>
        %dma_start3A_196 = arith.constant 0 : i32
        %dma_start3A_197 = tpu.memref_slice %arg5[%squeeze3A_193, %dma_start3A_196] : memref<1000000x32xf32, #tpu.memory_space<hbm>> -> memref<1x32xf32, #tpu.memory_space<hbm>>
        %dma_start3A_198 = arith.constant 0 : i32
        %dma_start3A_199 = tpu.memref_slice %arg11[%add3A_191, %dma_start3A_198] : memref<128x32xf32, #tpu.memory_space<vmem>> -> memref<1x32xf32, #tpu.memory_space<vmem>>
        %dma_start3A_200 = arith.constant 0 : i32
        %dma_start3A_201 = tpu.memref_slice %arg5[%squeeze3A_193, %dma_start3A_200] : memref<1000000x32xf32, #tpu.memory_space<hbm>> -> memref<1x32xf32, #tpu.memory_space<hbm>>
        tpu.enqueue_dma source(%dma_start3A_201 : memref<1x32xf32, #tpu.memory_space<hbm>>) target(%dma_start3A_199 : memref<1x32xf32, #tpu.memory_space<vmem>>) target_semaphore(%arg15 : memref<!tpu.dma_semaphore, #tpu.memory_space<semaphore_mem>>)
        %slice3A_202 = vector.extract_strided_slice %get3A_49 {offsets = [4], sizes = [1], strides = [1]} : vector<16xi32> to vector<1xi32>
        %squeeze3A_203 = vector.extract %slice3A_202[0] : i32 from vector<1xi32>
        %dma_start3A_204 = arith.constant 0 : i32
        %dma_start3A_205 = tpu.memref_slice %arg12[%add3A_191, %dma_start3A_204] : memref<128x32xf32, #tpu.memory_space<vmem>> -> memref<1x32xf32, #tpu.memory_space<vmem>>
        %dma_start3A_206 = arith.constant 0 : i32
        %dma_start3A_207 = tpu.memref_slice %arg6[%squeeze3A_203, %dma_start3A_206] : memref<1000000x32xf32, #tpu.memory_space<hbm>> -> memref<1x32xf32, #tpu.memory_space<hbm>>
        %dma_start3A_208 = arith.constant 0 : i32
        %dma_start3A_209 = tpu.memref_slice %arg12[%add3A_191, %dma_start3A_208] : memref<128x32xf32, #tpu.memory_space<vmem>> -> memref<1x32xf32, #tpu.memory_space<vmem>>
        %dma_start3A_210 = arith.constant 0 : i32
        %dma_start3A_211 = tpu.memref_slice %arg6[%squeeze3A_203, %dma_start3A_210] : memref<1000000x32xf32, #tpu.memory_space<hbm>> -> memref<1x32xf32, #tpu.memory_space<hbm>>
        tpu.enqueue_dma source(%dma_start3A_211 : memref<1x32xf32, #tpu.memory_space<hbm>>) target(%dma_start3A_209 : memref<1x32xf32, #tpu.memory_space<vmem>>) target_semaphore(%arg16 : memref<!tpu.dma_semaphore, #tpu.memory_space<semaphore_mem>>)
        %slice3A_212 = vector.extract_strided_slice %get3A_54 {offsets = [4], sizes = [1], strides = [1]} : vector<16xi32> to vector<1xi32>
        %squeeze3A_213 = vector.extract %slice3A_212[0] : i32 from vector<1xi32>
        %dma_start3A_214 = arith.constant 0 : i32
        %dma_start3A_215 = tpu.memref_slice %arg13[%add3A_191, %dma_start3A_214] : memref<128x32xf32, #tpu.memory_space<vmem>> -> memref<1x32xf32, #tpu.memory_space<vmem>>
        %dma_start3A_216 = arith.constant 0 : i32
        %dma_start3A_217 = tpu.memref_slice %arg6[%squeeze3A_213, %dma_start3A_216] : memref<1000000x32xf32, #tpu.memory_space<hbm>> -> memref<1x32xf32, #tpu.memory_space<hbm>>
        %dma_start3A_218 = arith.constant 0 : i32
        %dma_start3A_219 = tpu.memref_slice %arg13[%add3A_191, %dma_start3A_218] : memref<128x32xf32, #tpu.memory_space<vmem>> -> memref<1x32xf32, #tpu.memory_space<vmem>>
        %dma_start3A_220 = arith.constant 0 : i32
        %dma_start3A_221 = tpu.memref_slice %arg6[%squeeze3A_213, %dma_start3A_220] : memref<1000000x32xf32, #tpu.memory_space<hbm>> -> memref<1x32xf32, #tpu.memory_space<hbm>>
        tpu.enqueue_dma source(%dma_start3A_221 : memref<1x32xf32, #tpu.memory_space<hbm>>) target(%dma_start3A_219 : memref<1x32xf32, #tpu.memory_space<vmem>>) target_semaphore(%arg17 : memref<!tpu.dma_semaphore, #tpu.memory_space<semaphore_mem>>)
        %mul3A_222 = arith.constant 16 : i32
        %mul3A_223 = arith.muli %scan3A_40, %mul3A_222 : i32
        %add3A_224 = arith.constant 5 : i32
        %add3A_225 = arith.addi %mul3A_223, %add3A_224 : i32
        %slice3A_226 = vector.extract_strided_slice %get3A_44 {offsets = [5], sizes = [1], strides = [1]} : vector<16xi32> to vector<1xi32>
        %squeeze3A_227 = vector.extract %slice3A_226[0] : i32 from vector<1xi32>
        %dma_start3A_228 = arith.constant 0 : i32
        %dma_start3A_229 = tpu.memref_slice %arg11[%add3A_225, %dma_start3A_228] : memref<128x32xf32, #tpu.memory_space<vmem>> -> memref<1x32xf32, #tpu.memory_space<vmem>>
        %dma_start3A_230 = arith.constant 0 : i32
        %dma_start3A_231 = tpu.memref_slice %arg5[%squeeze3A_227, %dma_start3A_230] : memref<1000000x32xf32, #tpu.memory_space<hbm>> -> memref<1x32xf32, #tpu.memory_space<hbm>>
        %dma_start3A_232 = arith.constant 0 : i32
        %dma_start3A_233 = tpu.memref_slice %arg11[%add3A_225, %dma_start3A_232] : memref<128x32xf32, #tpu.memory_space<vmem>> -> memref<1x32xf32, #tpu.memory_space<vmem>>
        %dma_start3A_234 = arith.constant 0 : i32
        %dma_start3A_235 = tpu.memref_slice %arg5[%squeeze3A_227, %dma_start3A_234] : memref<1000000x32xf32, #tpu.memory_space<hbm>> -> memref<1x32xf32, #tpu.memory_space<hbm>>
        tpu.enqueue_dma source(%dma_start3A_235 : memref<1x32xf32, #tpu.memory_space<hbm>>) target(%dma_start3A_233 : memref<1x32xf32, #tpu.memory_space<vmem>>) target_semaphore(%arg15 : memref<!tpu.dma_semaphore, #tpu.memory_space<semaphore_mem>>)
        %slice3A_236 = vector.extract_strided_slice %get3A_49 {offsets = [5], sizes = [1], strides = [1]} : vector<16xi32> to vector<1xi32>
        %squeeze3A_237 = vector.extract %slice3A_236[0] : i32 from vector<1xi32>
        %dma_start3A_238 = arith.constant 0 : i32
        %dma_start3A_239 = tpu.memref_slice %arg12[%add3A_225, %dma_start3A_238] : memref<128x32xf32, #tpu.memory_space<vmem>> -> memref<1x32xf32, #tpu.memory_space<vmem>>
        %dma_start3A_240 = arith.constant 0 : i32
        %dma_start3A_241 = tpu.memref_slice %arg6[%squeeze3A_237, %dma_start3A_240] : memref<1000000x32xf32, #tpu.memory_space<hbm>> -> memref<1x32xf32, #tpu.memory_space<hbm>>
        %dma_start3A_242 = arith.constant 0 : i32
        %dma_start3A_243 = tpu.memref_slice %arg12[%add3A_225, %dma_start3A_242] : memref<128x32xf32, #tpu.memory_space<vmem>> -> memref<1x32xf32, #tpu.memory_space<vmem>>
        %dma_start3A_244 = arith.constant 0 : i32
        %dma_start3A_245 = tpu.memref_slice %arg6[%squeeze3A_237, %dma_start3A_244] : memref<1000000x32xf32, #tpu.memory_space<hbm>> -> memref<1x32xf32, #tpu.memory_space<hbm>>
        tpu.enqueue_dma source(%dma_start3A_245 : memref<1x32xf32, #tpu.memory_space<hbm>>) target(%dma_start3A_243 : memref<1x32xf32, #tpu.memory_space<vmem>>) target_semaphore(%arg16 : memref<!tpu.dma_semaphore, #tpu.memory_space<semaphore_mem>>)
        %slice3A_246 = vector.extract_strided_slice %get3A_54 {offsets = [5], sizes = [1], strides = [1]} : vector<16xi32> to vector<1xi32>
        %squeeze3A_247 = vector.extract %slice3A_246[0] : i32 from vector<1xi32>
        %dma_start3A_248 = arith.constant 0 : i32
        %dma_start3A_249 = tpu.memref_slice %arg13[%add3A_225, %dma_start3A_248] : memref<128x32xf32, #tpu.memory_space<vmem>> -> memref<1x32xf32, #tpu.memory_space<vmem>>
        %dma_start3A_250 = arith.constant 0 : i32
        %dma_start3A_251 = tpu.memref_slice %arg6[%squeeze3A_247, %dma_start3A_250] : memref<1000000x32xf32, #tpu.memory_space<hbm>> -> memref<1x32xf32, #tpu.memory_space<hbm>>
        %dma_start3A_252 = arith.constant 0 : i32
        %dma_start3A_253 = tpu.memref_slice %arg13[%add3A_225, %dma_start3A_252] : memref<128x32xf32, #tpu.memory_space<vmem>> -> memref<1x32xf32, #tpu.memory_space<vmem>>
        %dma_start3A_254 = arith.constant 0 : i32
        %dma_start3A_255 = tpu.memref_slice %arg6[%squeeze3A_247, %dma_start3A_254] : memref<1000000x32xf32, #tpu.memory_space<hbm>> -> memref<1x32xf32, #tpu.memory_space<hbm>>
        tpu.enqueue_dma source(%dma_start3A_255 : memref<1x32xf32, #tpu.memory_space<hbm>>) target(%dma_start3A_253 : memref<1x32xf32, #tpu.memory_space<vmem>>) target_semaphore(%arg17 : memref<!tpu.dma_semaphore, #tpu.memory_space<semaphore_mem>>)
        %mul3A_256 = arith.constant 16 : i32
        %mul3A_257 = arith.muli %scan3A_40, %mul3A_256 : i32
        %add3A_258 = arith.constant 6 : i32
        %add3A_259 = arith.addi %mul3A_257, %add3A_258 : i32
        %slice3A_260 = vector.extract_strided_slice %get3A_44 {offsets = [6], sizes = [1], strides = [1]} : vector<16xi32> to vector<1xi32>
        %squeeze3A_261 = vector.extract %slice3A_260[0] : i32 from vector<1xi32>
        %dma_start3A_262 = arith.constant 0 : i32
        %dma_start3A_263 = tpu.memref_slice %arg11[%add3A_259, %dma_start3A_262] : memref<128x32xf32, #tpu.memory_space<vmem>> -> memref<1x32xf32, #tpu.memory_space<vmem>>
        %dma_start3A_264 = arith.constant 0 : i32
        %dma_start3A_265 = tpu.memref_slice %arg5[%squeeze3A_261, %dma_start3A_264] : memref<1000000x32xf32, #tpu.memory_space<hbm>> -> memref<1x32xf32, #tpu.memory_space<hbm>>
        %dma_start3A_266 = arith.constant 0 : i32
        %dma_start3A_267 = tpu.memref_slice %arg11[%add3A_259, %dma_start3A_266] : memref<128x32xf32, #tpu.memory_space<vmem>> -> memref<1x32xf32, #tpu.memory_space<vmem>>
        %dma_start3A_268 = arith.constant 0 : i32
        %dma_start3A_269 = tpu.memref_slice %arg5[%squeeze3A_261, %dma_start3A_268] : memref<1000000x32xf32, #tpu.memory_space<hbm>> -> memref<1x32xf32, #tpu.memory_space<hbm>>
        tpu.enqueue_dma source(%dma_start3A_269 : memref<1x32xf32, #tpu.memory_space<hbm>>) target(%dma_start3A_267 : memref<1x32xf32, #tpu.memory_space<vmem>>) target_semaphore(%arg15 : memref<!tpu.dma_semaphore, #tpu.memory_space<semaphore_mem>>)
        %slice3A_270 = vector.extract_strided_slice %get3A_49 {offsets = [6], sizes = [1], strides = [1]} : vector<16xi32> to vector<1xi32>
        %squeeze3A_271 = vector.extract %slice3A_270[0] : i32 from vector<1xi32>
        %dma_start3A_272 = arith.constant 0 : i32
        %dma_start3A_273 = tpu.memref_slice %arg12[%add3A_259, %dma_start3A_272] : memref<128x32xf32, #tpu.memory_space<vmem>> -> memref<1x32xf32, #tpu.memory_space<vmem>>
        %dma_start3A_274 = arith.constant 0 : i32
        %dma_start3A_275 = tpu.memref_slice %arg6[%squeeze3A_271, %dma_start3A_274] : memref<1000000x32xf32, #tpu.memory_space<hbm>> -> memref<1x32xf32, #tpu.memory_space<hbm>>
        %dma_start3A_276 = arith.constant 0 : i32
        %dma_start3A_277 = tpu.memref_slice %arg12[%add3A_259, %dma_start3A_276] : memref<128x32xf32, #tpu.memory_space<vmem>> -> memref<1x32xf32, #tpu.memory_space<vmem>>
        %dma_start3A_278 = arith.constant 0 : i32
        %dma_start3A_279 = tpu.memref_slice %arg6[%squeeze3A_271, %dma_start3A_278] : memref<1000000x32xf32, #tpu.memory_space<hbm>> -> memref<1x32xf32, #tpu.memory_space<hbm>>
        tpu.enqueue_dma source(%dma_start3A_279 : memref<1x32xf32, #tpu.memory_space<hbm>>) target(%dma_start3A_277 : memref<1x32xf32, #tpu.memory_space<vmem>>) target_semaphore(%arg16 : memref<!tpu.dma_semaphore, #tpu.memory_space<semaphore_mem>>)
        %slice3A_280 = vector.extract_strided_slice %get3A_54 {offsets = [6], sizes = [1], strides = [1]} : vector<16xi32> to vector<1xi32>
        %squeeze3A_281 = vector.extract %slice3A_280[0] : i32 from vector<1xi32>
        %dma_start3A_282 = arith.constant 0 : i32
        %dma_start3A_283 = tpu.memref_slice %arg13[%add3A_259, %dma_start3A_282] : memref<128x32xf32, #tpu.memory_space<vmem>> -> memref<1x32xf32, #tpu.memory_space<vmem>>
        %dma_start3A_284 = arith.constant 0 : i32
        %dma_start3A_285 = tpu.memref_slice %arg6[%squeeze3A_281, %dma_start3A_284] : memref<1000000x32xf32, #tpu.memory_space<hbm>> -> memref<1x32xf32, #tpu.memory_space<hbm>>
        %dma_start3A_286 = arith.constant 0 : i32
        %dma_start3A_287 = tpu.memref_slice %arg13[%add3A_259, %dma_start3A_286] : memref<128x32xf32, #tpu.memory_space<vmem>> -> memref<1x32xf32, #tpu.memory_space<vmem>>
        %dma_start3A_288 = arith.constant 0 : i32
        %dma_start3A_289 = tpu.memref_slice %arg6[%squeeze3A_281, %dma_start3A_288] : memref<1000000x32xf32, #tpu.memory_space<hbm>> -> memref<1x32xf32, #tpu.memory_space<hbm>>
        tpu.enqueue_dma source(%dma_start3A_289 : memref<1x32xf32, #tpu.memory_space<hbm>>) target(%dma_start3A_287 : memref<1x32xf32, #tpu.memory_space<vmem>>) target_semaphore(%arg17 : memref<!tpu.dma_semaphore, #tpu.memory_space<semaphore_mem>>)
        %mul3A_290 = arith.constant 16 : i32
        %mul3A_291 = arith.muli %scan3A_40, %mul3A_290 : i32
        %add3A_292 = arith.constant 7 : i32
        %add3A_293 = arith.addi %mul3A_291, %add3A_292 : i32
        %slice3A_294 = vector.extract_strided_slice %get3A_44 {offsets = [7], sizes = [1], strides = [1]} : vector<16xi32> to vector<1xi32>
        %squeeze3A_295 = vector.extract %slice3A_294[0] : i32 from vector<1xi32>
        %dma_start3A_296 = arith.constant 0 : i32
        %dma_start3A_297 = tpu.memref_slice %arg11[%add3A_293, %dma_start3A_296] : memref<128x32xf32, #tpu.memory_space<vmem>> -> memref<1x32xf32, #tpu.memory_space<vmem>>
        %dma_start3A_298 = arith.constant 0 : i32
        %dma_start3A_299 = tpu.memref_slice %arg5[%squeeze3A_295, %dma_start3A_298] : memref<1000000x32xf32, #tpu.memory_space<hbm>> -> memref<1x32xf32, #tpu.memory_space<hbm>>
        %dma_start3A_300 = arith.constant 0 : i32
        %dma_start3A_301 = tpu.memref_slice %arg11[%add3A_293, %dma_start3A_300] : memref<128x32xf32, #tpu.memory_space<vmem>> -> memref<1x32xf32, #tpu.memory_space<vmem>>
        %dma_start3A_302 = arith.constant 0 : i32
        %dma_start3A_303 = tpu.memref_slice %arg5[%squeeze3A_295, %dma_start3A_302] : memref<1000000x32xf32, #tpu.memory_space<hbm>> -> memref<1x32xf32, #tpu.memory_space<hbm>>
        tpu.enqueue_dma source(%dma_start3A_303 : memref<1x32xf32, #tpu.memory_space<hbm>>) target(%dma_start3A_301 : memref<1x32xf32, #tpu.memory_space<vmem>>) target_semaphore(%arg15 : memref<!tpu.dma_semaphore, #tpu.memory_space<semaphore_mem>>)
        %slice3A_304 = vector.extract_strided_slice %get3A_49 {offsets = [7], sizes = [1], strides = [1]} : vector<16xi32> to vector<1xi32>
        %squeeze3A_305 = vector.extract %slice3A_304[0] : i32 from vector<1xi32>
        %dma_start3A_306 = arith.constant 0 : i32
        %dma_start3A_307 = tpu.memref_slice %arg12[%add3A_293, %dma_start3A_306] : memref<128x32xf32, #tpu.memory_space<vmem>> -> memref<1x32xf32, #tpu.memory_space<vmem>>
        %dma_start3A_308 = arith.constant 0 : i32
        %dma_start3A_309 = tpu.memref_slice %arg6[%squeeze3A_305, %dma_start3A_308] : memref<1000000x32xf32, #tpu.memory_space<hbm>> -> memref<1x32xf32, #tpu.memory_space<hbm>>
        %dma_start3A_310 = arith.constant 0 : i32
        %dma_start3A_311 = tpu.memref_slice %arg12[%add3A_293, %dma_start3A_310] : memref<128x32xf32, #tpu.memory_space<vmem>> -> memref<1x32xf32, #tpu.memory_space<vmem>>
        %dma_start3A_312 = arith.constant 0 : i32
        %dma_start3A_313 = tpu.memref_slice %arg6[%squeeze3A_305, %dma_start3A_312] : memref<1000000x32xf32, #tpu.memory_space<hbm>> -> memref<1x32xf32, #tpu.memory_space<hbm>>
        tpu.enqueue_dma source(%dma_start3A_313 : memref<1x32xf32, #tpu.memory_space<hbm>>) target(%dma_start3A_311 : memref<1x32xf32, #tpu.memory_space<vmem>>) target_semaphore(%arg16 : memref<!tpu.dma_semaphore, #tpu.memory_space<semaphore_mem>>)
        %slice3A_314 = vector.extract_strided_slice %get3A_54 {offsets = [7], sizes = [1], strides = [1]} : vector<16xi32> to vector<1xi32>
        %squeeze3A_315 = vector.extract %slice3A_314[0] : i32 from vector<1xi32>
        %dma_start3A_316 = arith.constant 0 : i32
        %dma_start3A_317 = tpu.memref_slice %arg13[%add3A_293, %dma_start3A_316] : memref<128x32xf32, #tpu.memory_space<vmem>> -> memref<1x32xf32, #tpu.memory_space<vmem>>
        %dma_start3A_318 = arith.constant 0 : i32
        %dma_start3A_319 = tpu.memref_slice %arg6[%squeeze3A_315, %dma_start3A_318] : memref<1000000x32xf32, #tpu.memory_space<hbm>> -> memref<1x32xf32, #tpu.memory_space<hbm>>
        %dma_start3A_320 = arith.constant 0 : i32
        %dma_start3A_321 = tpu.memref_slice %arg13[%add3A_293, %dma_start3A_320] : memref<128x32xf32, #tpu.memory_space<vmem>> -> memref<1x32xf32, #tpu.memory_space<vmem>>
        %dma_start3A_322 = arith.constant 0 : i32
        %dma_start3A_323 = tpu.memref_slice %arg6[%squeeze3A_315, %dma_start3A_322] : memref<1000000x32xf32, #tpu.memory_space<hbm>> -> memref<1x32xf32, #tpu.memory_space<hbm>>
        tpu.enqueue_dma source(%dma_start3A_323 : memref<1x32xf32, #tpu.memory_space<hbm>>) target(%dma_start3A_321 : memref<1x32xf32, #tpu.memory_space<vmem>>) target_semaphore(%arg17 : memref<!tpu.dma_semaphore, #tpu.memory_space<semaphore_mem>>)
        %mul3A_324 = arith.constant 16 : i32
        %mul3A_325 = arith.muli %scan3A_40, %mul3A_324 : i32
        %add3A_326 = arith.constant 8 : i32
        %add3A_327 = arith.addi %mul3A_325, %add3A_326 : i32
        %slice3A_328 = vector.extract_strided_slice %get3A_44 {offsets = [8], sizes = [1], strides = [1]} : vector<16xi32> to vector<1xi32>
        %squeeze3A_329 = vector.extract %slice3A_328[0] : i32 from vector<1xi32>
        %dma_start3A_330 = arith.constant 0 : i32
        %dma_start3A_331 = tpu.memref_slice %arg11[%add3A_327, %dma_start3A_330] : memref<128x32xf32, #tpu.memory_space<vmem>> -> memref<1x32xf32, #tpu.memory_space<vmem>>
        %dma_start3A_332 = arith.constant 0 : i32
        %dma_start3A_333 = tpu.memref_slice %arg5[%squeeze3A_329, %dma_start3A_332] : memref<1000000x32xf32, #tpu.memory_space<hbm>> -> memref<1x32xf32, #tpu.memory_space<hbm>>
        %dma_start3A_334 = arith.constant 0 : i32
        %dma_start3A_335 = tpu.memref_slice %arg11[%add3A_327, %dma_start3A_334] : memref<128x32xf32, #tpu.memory_space<vmem>> -> memref<1x32xf32, #tpu.memory_space<vmem>>
        %dma_start3A_336 = arith.constant 0 : i32
        %dma_start3A_337 = tpu.memref_slice %arg5[%squeeze3A_329, %dma_start3A_336] : memref<1000000x32xf32, #tpu.memory_space<hbm>> -> memref<1x32xf32, #tpu.memory_space<hbm>>
        tpu.enqueue_dma source(%dma_start3A_337 : memref<1x32xf32, #tpu.memory_space<hbm>>) target(%dma_start3A_335 : memref<1x32xf32, #tpu.memory_space<vmem>>) target_semaphore(%arg15 : memref<!tpu.dma_semaphore, #tpu.memory_space<semaphore_mem>>)
        %slice3A_338 = vector.extract_strided_slice %get3A_49 {offsets = [8], sizes = [1], strides = [1]} : vector<16xi32> to vector<1xi32>
        %squeeze3A_339 = vector.extract %slice3A_338[0] : i32 from vector<1xi32>
        %dma_start3A_340 = arith.constant 0 : i32
        %dma_start3A_341 = tpu.memref_slice %arg12[%add3A_327, %dma_start3A_340] : memref<128x32xf32, #tpu.memory_space<vmem>> -> memref<1x32xf32, #tpu.memory_space<vmem>>
        %dma_start3A_342 = arith.constant 0 : i32
        %dma_start3A_343 = tpu.memref_slice %arg6[%squeeze3A_339, %dma_start3A_342] : memref<1000000x32xf32, #tpu.memory_space<hbm>> -> memref<1x32xf32, #tpu.memory_space<hbm>>
        %dma_start3A_344 = arith.constant 0 : i32
        %dma_start3A_345 = tpu.memref_slice %arg12[%add3A_327, %dma_start3A_344] : memref<128x32xf32, #tpu.memory_space<vmem>> -> memref<1x32xf32, #tpu.memory_space<vmem>>
        %dma_start3A_346 = arith.constant 0 : i32
        %dma_start3A_347 = tpu.memref_slice %arg6[%squeeze3A_339, %dma_start3A_346] : memref<1000000x32xf32, #tpu.memory_space<hbm>> -> memref<1x32xf32, #tpu.memory_space<hbm>>
        tpu.enqueue_dma source(%dma_start3A_347 : memref<1x32xf32, #tpu.memory_space<hbm>>) target(%dma_start3A_345 : memref<1x32xf32, #tpu.memory_space<vmem>>) target_semaphore(%arg16 : memref<!tpu.dma_semaphore, #tpu.memory_space<semaphore_mem>>)
        %slice3A_348 = vector.extract_strided_slice %get3A_54 {offsets = [8], sizes = [1], strides = [1]} : vector<16xi32> to vector<1xi32>
        %squeeze3A_349 = vector.extract %slice3A_348[0] : i32 from vector<1xi32>
        %dma_start3A_350 = arith.constant 0 : i32
        %dma_start3A_351 = tpu.memref_slice %arg13[%add3A_327, %dma_start3A_350] : memref<128x32xf32, #tpu.memory_space<vmem>> -> memref<1x32xf32, #tpu.memory_space<vmem>>
        %dma_start3A_352 = arith.constant 0 : i32
        %dma_start3A_353 = tpu.memref_slice %arg6[%squeeze3A_349, %dma_start3A_352] : memref<1000000x32xf32, #tpu.memory_space<hbm>> -> memref<1x32xf32, #tpu.memory_space<hbm>>
        %dma_start3A_354 = arith.constant 0 : i32
        %dma_start3A_355 = tpu.memref_slice %arg13[%add3A_327, %dma_start3A_354] : memref<128x32xf32, #tpu.memory_space<vmem>> -> memref<1x32xf32, #tpu.memory_space<vmem>>
        %dma_start3A_356 = arith.constant 0 : i32
        %dma_start3A_357 = tpu.memref_slice %arg6[%squeeze3A_349, %dma_start3A_356] : memref<1000000x32xf32, #tpu.memory_space<hbm>> -> memref<1x32xf32, #tpu.memory_space<hbm>>
        tpu.enqueue_dma source(%dma_start3A_357 : memref<1x32xf32, #tpu.memory_space<hbm>>) target(%dma_start3A_355 : memref<1x32xf32, #tpu.memory_space<vmem>>) target_semaphore(%arg17 : memref<!tpu.dma_semaphore, #tpu.memory_space<semaphore_mem>>)
        %mul3A_358 = arith.constant 16 : i32
        %mul3A_359 = arith.muli %scan3A_40, %mul3A_358 : i32
        %add3A_360 = arith.constant 9 : i32
        %add3A_361 = arith.addi %mul3A_359, %add3A_360 : i32
        %slice3A_362 = vector.extract_strided_slice %get3A_44 {offsets = [9], sizes = [1], strides = [1]} : vector<16xi32> to vector<1xi32>
        %squeeze3A_363 = vector.extract %slice3A_362[0] : i32 from vector<1xi32>
        %dma_start3A_364 = arith.constant 0 : i32
        %dma_start3A_365 = tpu.memref_slice %arg11[%add3A_361, %dma_start3A_364] : memref<128x32xf32, #tpu.memory_space<vmem>> -> memref<1x32xf32, #tpu.memory_space<vmem>>
        %dma_start3A_366 = arith.constant 0 : i32
        %dma_start3A_367 = tpu.memref_slice %arg5[%squeeze3A_363, %dma_start3A_366] : memref<1000000x32xf32, #tpu.memory_space<hbm>> -> memref<1x32xf32, #tpu.memory_space<hbm>>
        %dma_start3A_368 = arith.constant 0 : i32
        %dma_start3A_369 = tpu.memref_slice %arg11[%add3A_361, %dma_start3A_368] : memref<128x32xf32, #tpu.memory_space<vmem>> -> memref<1x32xf32, #tpu.memory_space<vmem>>
        %dma_start3A_370 = arith.constant 0 : i32
        %dma_start3A_371 = tpu.memref_slice %arg5[%squeeze3A_363, %dma_start3A_370] : memref<1000000x32xf32, #tpu.memory_space<hbm>> -> memref<1x32xf32, #tpu.memory_space<hbm>>
        tpu.enqueue_dma source(%dma_start3A_371 : memref<1x32xf32, #tpu.memory_space<hbm>>) target(%dma_start3A_369 : memref<1x32xf32, #tpu.memory_space<vmem>>) target_semaphore(%arg15 : memref<!tpu.dma_semaphore, #tpu.memory_space<semaphore_mem>>)
        %slice3A_372 = vector.extract_strided_slice %get3A_49 {offsets = [9], sizes = [1], strides = [1]} : vector<16xi32> to vector<1xi32>
        %squeeze3A_373 = vector.extract %slice3A_372[0] : i32 from vector<1xi32>
        %dma_start3A_374 = arith.constant 0 : i32
        %dma_start3A_375 = tpu.memref_slice %arg12[%add3A_361, %dma_start3A_374] : memref<128x32xf32, #tpu.memory_space<vmem>> -> memref<1x32xf32, #tpu.memory_space<vmem>>
        %dma_start3A_376 = arith.constant 0 : i32
        %dma_start3A_377 = tpu.memref_slice %arg6[%squeeze3A_373, %dma_start3A_376] : memref<1000000x32xf32, #tpu.memory_space<hbm>> -> memref<1x32xf32, #tpu.memory_space<hbm>>
        %dma_start3A_378 = arith.constant 0 : i32
        %dma_start3A_379 = tpu.memref_slice %arg12[%add3A_361, %dma_start3A_378] : memref<128x32xf32, #tpu.memory_space<vmem>> -> memref<1x32xf32, #tpu.memory_space<vmem>>
        %dma_start3A_380 = arith.constant 0 : i32
        %dma_start3A_381 = tpu.memref_slice %arg6[%squeeze3A_373, %dma_start3A_380] : memref<1000000x32xf32, #tpu.memory_space<hbm>> -> memref<1x32xf32, #tpu.memory_space<hbm>>
        tpu.enqueue_dma source(%dma_start3A_381 : memref<1x32xf32, #tpu.memory_space<hbm>>) target(%dma_start3A_379 : memref<1x32xf32, #tpu.memory_space<vmem>>) target_semaphore(%arg16 : memref<!tpu.dma_semaphore, #tpu.memory_space<semaphore_mem>>)
        %slice3A_382 = vector.extract_strided_slice %get3A_54 {offsets = [9], sizes = [1], strides = [1]} : vector<16xi32> to vector<1xi32>
        %squeeze3A_383 = vector.extract %slice3A_382[0] : i32 from vector<1xi32>
        %dma_start3A_384 = arith.constant 0 : i32
        %dma_start3A_385 = tpu.memref_slice %arg13[%add3A_361, %dma_start3A_384] : memref<128x32xf32, #tpu.memory_space<vmem>> -> memref<1x32xf32, #tpu.memory_space<vmem>>
        %dma_start3A_386 = arith.constant 0 : i32
        %dma_start3A_387 = tpu.memref_slice %arg6[%squeeze3A_383, %dma_start3A_386] : memref<1000000x32xf32, #tpu.memory_space<hbm>> -> memref<1x32xf32, #tpu.memory_space<hbm>>
        %dma_start3A_388 = arith.constant 0 : i32
        %dma_start3A_389 = tpu.memref_slice %arg13[%add3A_361, %dma_start3A_388] : memref<128x32xf32, #tpu.memory_space<vmem>> -> memref<1x32xf32, #tpu.memory_space<vmem>>
        %dma_start3A_390 = arith.constant 0 : i32
        %dma_start3A_391 = tpu.memref_slice %arg6[%squeeze3A_383, %dma_start3A_390] : memref<1000000x32xf32, #tpu.memory_space<hbm>> -> memref<1x32xf32, #tpu.memory_space<hbm>>
        tpu.enqueue_dma source(%dma_start3A_391 : memref<1x32xf32, #tpu.memory_space<hbm>>) target(%dma_start3A_389 : memref<1x32xf32, #tpu.memory_space<vmem>>) target_semaphore(%arg17 : memref<!tpu.dma_semaphore, #tpu.memory_space<semaphore_mem>>)
        %mul3A_392 = arith.constant 16 : i32
        %mul3A_393 = arith.muli %scan3A_40, %mul3A_392 : i32
        %add3A_394 = arith.constant 10 : i32
        %add3A_395 = arith.addi %mul3A_393, %add3A_394 : i32
        %slice3A_396 = vector.extract_strided_slice %get3A_44 {offsets = [10], sizes = [1], strides = [1]} : vector<16xi32> to vector<1xi32>
        %squeeze3A_397 = vector.extract %slice3A_396[0] : i32 from vector<1xi32>
        %dma_start3A_398 = arith.constant 0 : i32
        %dma_start3A_399 = tpu.memref_slice %arg11[%add3A_395, %dma_start3A_398] : memref<128x32xf32, #tpu.memory_space<vmem>> -> memref<1x32xf32, #tpu.memory_space<vmem>>
        %dma_start3A_400 = arith.constant 0 : i32
        %dma_start3A_401 = tpu.memref_slice %arg5[%squeeze3A_397, %dma_start3A_400] : memref<1000000x32xf32, #tpu.memory_space<hbm>> -> memref<1x32xf32, #tpu.memory_space<hbm>>
        %dma_start3A_402 = arith.constant 0 : i32
        %dma_start3A_403 = tpu.memref_slice %arg11[%add3A_395, %dma_start3A_402] : memref<128x32xf32, #tpu.memory_space<vmem>> -> memref<1x32xf32, #tpu.memory_space<vmem>>
        %dma_start3A_404 = arith.constant 0 : i32
        %dma_start3A_405 = tpu.memref_slice %arg5[%squeeze3A_397, %dma_start3A_404] : memref<1000000x32xf32, #tpu.memory_space<hbm>> -> memref<1x32xf32, #tpu.memory_space<hbm>>
        tpu.enqueue_dma source(%dma_start3A_405 : memref<1x32xf32, #tpu.memory_space<hbm>>) target(%dma_start3A_403 : memref<1x32xf32, #tpu.memory_space<vmem>>) target_semaphore(%arg15 : memref<!tpu.dma_semaphore, #tpu.memory_space<semaphore_mem>>)
        %slice3A_406 = vector.extract_strided_slice %get3A_49 {offsets = [10], sizes = [1], strides = [1]} : vector<16xi32> to vector<1xi32>
        %squeeze3A_407 = vector.extract %slice3A_406[0] : i32 from vector<1xi32>
        %dma_start3A_408 = arith.constant 0 : i32
        %dma_start3A_409 = tpu.memref_slice %arg12[%add3A_395, %dma_start3A_408] : memref<128x32xf32, #tpu.memory_space<vmem>> -> memref<1x32xf32, #tpu.memory_space<vmem>>
        %dma_start3A_410 = arith.constant 0 : i32
        %dma_start3A_411 = tpu.memref_slice %arg6[%squeeze3A_407, %dma_start3A_410] : memref<1000000x32xf32, #tpu.memory_space<hbm>> -> memref<1x32xf32, #tpu.memory_space<hbm>>
        %dma_start3A_412 = arith.constant 0 : i32
        %dma_start3A_413 = tpu.memref_slice %arg12[%add3A_395, %dma_start3A_412] : memref<128x32xf32, #tpu.memory_space<vmem>> -> memref<1x32xf32, #tpu.memory_space<vmem>>
        %dma_start3A_414 = arith.constant 0 : i32
        %dma_start3A_415 = tpu.memref_slice %arg6[%squeeze3A_407, %dma_start3A_414] : memref<1000000x32xf32, #tpu.memory_space<hbm>> -> memref<1x32xf32, #tpu.memory_space<hbm>>
        tpu.enqueue_dma source(%dma_start3A_415 : memref<1x32xf32, #tpu.memory_space<hbm>>) target(%dma_start3A_413 : memref<1x32xf32, #tpu.memory_space<vmem>>) target_semaphore(%arg16 : memref<!tpu.dma_semaphore, #tpu.memory_space<semaphore_mem>>)
        %slice3A_416 = vector.extract_strided_slice %get3A_54 {offsets = [10], sizes = [1], strides = [1]} : vector<16xi32> to vector<1xi32>
        %squeeze3A_417 = vector.extract %slice3A_416[0] : i32 from vector<1xi32>
        %dma_start3A_418 = arith.constant 0 : i32
        %dma_start3A_419 = tpu.memref_slice %arg13[%add3A_395, %dma_start3A_418] : memref<128x32xf32, #tpu.memory_space<vmem>> -> memref<1x32xf32, #tpu.memory_space<vmem>>
        %dma_start3A_420 = arith.constant 0 : i32
        %dma_start3A_421 = tpu.memref_slice %arg6[%squeeze3A_417, %dma_start3A_420] : memref<1000000x32xf32, #tpu.memory_space<hbm>> -> memref<1x32xf32, #tpu.memory_space<hbm>>
        %dma_start3A_422 = arith.constant 0 : i32
        %dma_start3A_423 = tpu.memref_slice %arg13[%add3A_395, %dma_start3A_422] : memref<128x32xf32, #tpu.memory_space<vmem>> -> memref<1x32xf32, #tpu.memory_space<vmem>>
        %dma_start3A_424 = arith.constant 0 : i32
        %dma_start3A_425 = tpu.memref_slice %arg6[%squeeze3A_417, %dma_start3A_424] : memref<1000000x32xf32, #tpu.memory_space<hbm>> -> memref<1x32xf32, #tpu.memory_space<hbm>>
        tpu.enqueue_dma source(%dma_start3A_425 : memref<1x32xf32, #tpu.memory_space<hbm>>) target(%dma_start3A_423 : memref<1x32xf32, #tpu.memory_space<vmem>>) target_semaphore(%arg17 : memref<!tpu.dma_semaphore, #tpu.memory_space<semaphore_mem>>)
        %mul3A_426 = arith.constant 16 : i32
        %mul3A_427 = arith.muli %scan3A_40, %mul3A_426 : i32
        %add3A_428 = arith.constant 11 : i32
        %add3A_429 = arith.addi %mul3A_427, %add3A_428 : i32
        %slice3A_430 = vector.extract_strided_slice %get3A_44 {offsets = [11], sizes = [1], strides = [1]} : vector<16xi32> to vector<1xi32>
        %squeeze3A_431 = vector.extract %slice3A_430[0] : i32 from vector<1xi32>
        %dma_start3A_432 = arith.constant 0 : i32
        %dma_start3A_433 = tpu.memref_slice %arg11[%add3A_429, %dma_start3A_432] : memref<128x32xf32, #tpu.memory_space<vmem>> -> memref<1x32xf32, #tpu.memory_space<vmem>>
        %dma_start3A_434 = arith.constant 0 : i32
        %dma_start3A_435 = tpu.memref_slice %arg5[%squeeze3A_431, %dma_start3A_434] : memref<1000000x32xf32, #tpu.memory_space<hbm>> -> memref<1x32xf32, #tpu.memory_space<hbm>>
        %dma_start3A_436 = arith.constant 0 : i32
        %dma_start3A_437 = tpu.memref_slice %arg11[%add3A_429, %dma_start3A_436] : memref<128x32xf32, #tpu.memory_space<vmem>> -> memref<1x32xf32, #tpu.memory_space<vmem>>
        %dma_start3A_438 = arith.constant 0 : i32
        %dma_start3A_439 = tpu.memref_slice %arg5[%squeeze3A_431, %dma_start3A_438] : memref<1000000x32xf32, #tpu.memory_space<hbm>> -> memref<1x32xf32, #tpu.memory_space<hbm>>
        tpu.enqueue_dma source(%dma_start3A_439 : memref<1x32xf32, #tpu.memory_space<hbm>>) target(%dma_start3A_437 : memref<1x32xf32, #tpu.memory_space<vmem>>) target_semaphore(%arg15 : memref<!tpu.dma_semaphore, #tpu.memory_space<semaphore_mem>>)
        %slice3A_440 = vector.extract_strided_slice %get3A_49 {offsets = [11], sizes = [1], strides = [1]} : vector<16xi32> to vector<1xi32>
        %squeeze3A_441 = vector.extract %slice3A_440[0] : i32 from vector<1xi32>
        %dma_start3A_442 = arith.constant 0 : i32
        %dma_start3A_443 = tpu.memref_slice %arg12[%add3A_429, %dma_start3A_442] : memref<128x32xf32, #tpu.memory_space<vmem>> -> memref<1x32xf32, #tpu.memory_space<vmem>>
        %dma_start3A_444 = arith.constant 0 : i32
        %dma_start3A_445 = tpu.memref_slice %arg6[%squeeze3A_441, %dma_start3A_444] : memref<1000000x32xf32, #tpu.memory_space<hbm>> -> memref<1x32xf32, #tpu.memory_space<hbm>>
        %dma_start3A_446 = arith.constant 0 : i32
        %dma_start3A_447 = tpu.memref_slice %arg12[%add3A_429, %dma_start3A_446] : memref<128x32xf32, #tpu.memory_space<vmem>> -> memref<1x32xf32, #tpu.memory_space<vmem>>
        %dma_start3A_448 = arith.constant 0 : i32
        %dma_start3A_449 = tpu.memref_slice %arg6[%squeeze3A_441, %dma_start3A_448] : memref<1000000x32xf32, #tpu.memory_space<hbm>> -> memref<1x32xf32, #tpu.memory_space<hbm>>
        tpu.enqueue_dma source(%dma_start3A_449 : memref<1x32xf32, #tpu.memory_space<hbm>>) target(%dma_start3A_447 : memref<1x32xf32, #tpu.memory_space<vmem>>) target_semaphore(%arg16 : memref<!tpu.dma_semaphore, #tpu.memory_space<semaphore_mem>>)
        %slice3A_450 = vector.extract_strided_slice %get3A_54 {offsets = [11], sizes = [1], strides = [1]} : vector<16xi32> to vector<1xi32>
        %squeeze3A_451 = vector.extract %slice3A_450[0] : i32 from vector<1xi32>
        %dma_start3A_452 = arith.constant 0 : i32
        %dma_start3A_453 = tpu.memref_slice %arg13[%add3A_429, %dma_start3A_452] : memref<128x32xf32, #tpu.memory_space<vmem>> -> memref<1x32xf32, #tpu.memory_space<vmem>>
        %dma_start3A_454 = arith.constant 0 : i32
        %dma_start3A_455 = tpu.memref_slice %arg6[%squeeze3A_451, %dma_start3A_454] : memref<1000000x32xf32, #tpu.memory_space<hbm>> -> memref<1x32xf32, #tpu.memory_space<hbm>>
        %dma_start3A_456 = arith.constant 0 : i32
        %dma_start3A_457 = tpu.memref_slice %arg13[%add3A_429, %dma_start3A_456] : memref<128x32xf32, #tpu.memory_space<vmem>> -> memref<1x32xf32, #tpu.memory_space<vmem>>
        %dma_start3A_458 = arith.constant 0 : i32
        %dma_start3A_459 = tpu.memref_slice %arg6[%squeeze3A_451, %dma_start3A_458] : memref<1000000x32xf32, #tpu.memory_space<hbm>> -> memref<1x32xf32, #tpu.memory_space<hbm>>
        tpu.enqueue_dma source(%dma_start3A_459 : memref<1x32xf32, #tpu.memory_space<hbm>>) target(%dma_start3A_457 : memref<1x32xf32, #tpu.memory_space<vmem>>) target_semaphore(%arg17 : memref<!tpu.dma_semaphore, #tpu.memory_space<semaphore_mem>>)
        %mul3A_460 = arith.constant 16 : i32
        %mul3A_461 = arith.muli %scan3A_40, %mul3A_460 : i32
        %add3A_462 = arith.constant 12 : i32
        %add3A_463 = arith.addi %mul3A_461, %add3A_462 : i32
        %slice3A_464 = vector.extract_strided_slice %get3A_44 {offsets = [12], sizes = [1], strides = [1]} : vector<16xi32> to vector<1xi32>
        %squeeze3A_465 = vector.extract %slice3A_464[0] : i32 from vector<1xi32>
        %dma_start3A_466 = arith.constant 0 : i32
        %dma_start3A_467 = tpu.memref_slice %arg11[%add3A_463, %dma_start3A_466] : memref<128x32xf32, #tpu.memory_space<vmem>> -> memref<1x32xf32, #tpu.memory_space<vmem>>
        %dma_start3A_468 = arith.constant 0 : i32
        %dma_start3A_469 = tpu.memref_slice %arg5[%squeeze3A_465, %dma_start3A_468] : memref<1000000x32xf32, #tpu.memory_space<hbm>> -> memref<1x32xf32, #tpu.memory_space<hbm>>
        %dma_start3A_470 = arith.constant 0 : i32
        %dma_start3A_471 = tpu.memref_slice %arg11[%add3A_463, %dma_start3A_470] : memref<128x32xf32, #tpu.memory_space<vmem>> -> memref<1x32xf32, #tpu.memory_space<vmem>>
        %dma_start3A_472 = arith.constant 0 : i32
        %dma_start3A_473 = tpu.memref_slice %arg5[%squeeze3A_465, %dma_start3A_472] : memref<1000000x32xf32, #tpu.memory_space<hbm>> -> memref<1x32xf32, #tpu.memory_space<hbm>>
        tpu.enqueue_dma source(%dma_start3A_473 : memref<1x32xf32, #tpu.memory_space<hbm>>) target(%dma_start3A_471 : memref<1x32xf32, #tpu.memory_space<vmem>>) target_semaphore(%arg15 : memref<!tpu.dma_semaphore, #tpu.memory_space<semaphore_mem>>)
        %slice3A_474 = vector.extract_strided_slice %get3A_49 {offsets = [12], sizes = [1], strides = [1]} : vector<16xi32> to vector<1xi32>
        %squeeze3A_475 = vector.extract %slice3A_474[0] : i32 from vector<1xi32>
        %dma_start3A_476 = arith.constant 0 : i32
        %dma_start3A_477 = tpu.memref_slice %arg12[%add3A_463, %dma_start3A_476] : memref<128x32xf32, #tpu.memory_space<vmem>> -> memref<1x32xf32, #tpu.memory_space<vmem>>
        %dma_start3A_478 = arith.constant 0 : i32
        %dma_start3A_479 = tpu.memref_slice %arg6[%squeeze3A_475, %dma_start3A_478] : memref<1000000x32xf32, #tpu.memory_space<hbm>> -> memref<1x32xf32, #tpu.memory_space<hbm>>
        %dma_start3A_480 = arith.constant 0 : i32
        %dma_start3A_481 = tpu.memref_slice %arg12[%add3A_463, %dma_start3A_480] : memref<128x32xf32, #tpu.memory_space<vmem>> -> memref<1x32xf32, #tpu.memory_space<vmem>>
        %dma_start3A_482 = arith.constant 0 : i32
        %dma_start3A_483 = tpu.memref_slice %arg6[%squeeze3A_475, %dma_start3A_482] : memref<1000000x32xf32, #tpu.memory_space<hbm>> -> memref<1x32xf32, #tpu.memory_space<hbm>>
        tpu.enqueue_dma source(%dma_start3A_483 : memref<1x32xf32, #tpu.memory_space<hbm>>) target(%dma_start3A_481 : memref<1x32xf32, #tpu.memory_space<vmem>>) target_semaphore(%arg16 : memref<!tpu.dma_semaphore, #tpu.memory_space<semaphore_mem>>)
        %slice3A_484 = vector.extract_strided_slice %get3A_54 {offsets = [12], sizes = [1], strides = [1]} : vector<16xi32> to vector<1xi32>
        %squeeze3A_485 = vector.extract %slice3A_484[0] : i32 from vector<1xi32>
        %dma_start3A_486 = arith.constant 0 : i32
        %dma_start3A_487 = tpu.memref_slice %arg13[%add3A_463, %dma_start3A_486] : memref<128x32xf32, #tpu.memory_space<vmem>> -> memref<1x32xf32, #tpu.memory_space<vmem>>
        %dma_start3A_488 = arith.constant 0 : i32
        %dma_start3A_489 = tpu.memref_slice %arg6[%squeeze3A_485, %dma_start3A_488] : memref<1000000x32xf32, #tpu.memory_space<hbm>> -> memref<1x32xf32, #tpu.memory_space<hbm>>
        %dma_start3A_490 = arith.constant 0 : i32
        %dma_start3A_491 = tpu.memref_slice %arg13[%add3A_463, %dma_start3A_490] : memref<128x32xf32, #tpu.memory_space<vmem>> -> memref<1x32xf32, #tpu.memory_space<vmem>>
        %dma_start3A_492 = arith.constant 0 : i32
        %dma_start3A_493 = tpu.memref_slice %arg6[%squeeze3A_485, %dma_start3A_492] : memref<1000000x32xf32, #tpu.memory_space<hbm>> -> memref<1x32xf32, #tpu.memory_space<hbm>>
        tpu.enqueue_dma source(%dma_start3A_493 : memref<1x32xf32, #tpu.memory_space<hbm>>) target(%dma_start3A_491 : memref<1x32xf32, #tpu.memory_space<vmem>>) target_semaphore(%arg17 : memref<!tpu.dma_semaphore, #tpu.memory_space<semaphore_mem>>)
        %mul3A_494 = arith.constant 16 : i32
        %mul3A_495 = arith.muli %scan3A_40, %mul3A_494 : i32
        %add3A_496 = arith.constant 13 : i32
        %add3A_497 = arith.addi %mul3A_495, %add3A_496 : i32
        %slice3A_498 = vector.extract_strided_slice %get3A_44 {offsets = [13], sizes = [1], strides = [1]} : vector<16xi32> to vector<1xi32>
        %squeeze3A_499 = vector.extract %slice3A_498[0] : i32 from vector<1xi32>
        %dma_start3A_500 = arith.constant 0 : i32
        %dma_start3A_501 = tpu.memref_slice %arg11[%add3A_497, %dma_start3A_500] : memref<128x32xf32, #tpu.memory_space<vmem>> -> memref<1x32xf32, #tpu.memory_space<vmem>>
        %dma_start3A_502 = arith.constant 0 : i32
        %dma_start3A_503 = tpu.memref_slice %arg5[%squeeze3A_499, %dma_start3A_502] : memref<1000000x32xf32, #tpu.memory_space<hbm>> -> memref<1x32xf32, #tpu.memory_space<hbm>>
        %dma_start3A_504 = arith.constant 0 : i32
        %dma_start3A_505 = tpu.memref_slice %arg11[%add3A_497, %dma_start3A_504] : memref<128x32xf32, #tpu.memory_space<vmem>> -> memref<1x32xf32, #tpu.memory_space<vmem>>
        %dma_start3A_506 = arith.constant 0 : i32
        %dma_start3A_507 = tpu.memref_slice %arg5[%squeeze3A_499, %dma_start3A_506] : memref<1000000x32xf32, #tpu.memory_space<hbm>> -> memref<1x32xf32, #tpu.memory_space<hbm>>
        tpu.enqueue_dma source(%dma_start3A_507 : memref<1x32xf32, #tpu.memory_space<hbm>>) target(%dma_start3A_505 : memref<1x32xf32, #tpu.memory_space<vmem>>) target_semaphore(%arg15 : memref<!tpu.dma_semaphore, #tpu.memory_space<semaphore_mem>>)
        %slice3A_508 = vector.extract_strided_slice %get3A_49 {offsets = [13], sizes = [1], strides = [1]} : vector<16xi32> to vector<1xi32>
        %squeeze3A_509 = vector.extract %slice3A_508[0] : i32 from vector<1xi32>
        %dma_start3A_510 = arith.constant 0 : i32
        %dma_start3A_511 = tpu.memref_slice %arg12[%add3A_497, %dma_start3A_510] : memref<128x32xf32, #tpu.memory_space<vmem>> -> memref<1x32xf32, #tpu.memory_space<vmem>>
        %dma_start3A_512 = arith.constant 0 : i32
        %dma_start3A_513 = tpu.memref_slice %arg6[%squeeze3A_509, %dma_start3A_512] : memref<1000000x32xf32, #tpu.memory_space<hbm>> -> memref<1x32xf32, #tpu.memory_space<hbm>>
        %dma_start3A_514 = arith.constant 0 : i32
        %dma_start3A_515 = tpu.memref_slice %arg12[%add3A_497, %dma_start3A_514] : memref<128x32xf32, #tpu.memory_space<vmem>> -> memref<1x32xf32, #tpu.memory_space<vmem>>
        %dma_start3A_516 = arith.constant 0 : i32
        %dma_start3A_517 = tpu.memref_slice %arg6[%squeeze3A_509, %dma_start3A_516] : memref<1000000x32xf32, #tpu.memory_space<hbm>> -> memref<1x32xf32, #tpu.memory_space<hbm>>
        tpu.enqueue_dma source(%dma_start3A_517 : memref<1x32xf32, #tpu.memory_space<hbm>>) target(%dma_start3A_515 : memref<1x32xf32, #tpu.memory_space<vmem>>) target_semaphore(%arg16 : memref<!tpu.dma_semaphore, #tpu.memory_space<semaphore_mem>>)
        %slice3A_518 = vector.extract_strided_slice %get3A_54 {offsets = [13], sizes = [1], strides = [1]} : vector<16xi32> to vector<1xi32>
        %squeeze3A_519 = vector.extract %slice3A_518[0] : i32 from vector<1xi32>
        %dma_start3A_520 = arith.constant 0 : i32
        %dma_start3A_521 = tpu.memref_slice %arg13[%add3A_497, %dma_start3A_520] : memref<128x32xf32, #tpu.memory_space<vmem>> -> memref<1x32xf32, #tpu.memory_space<vmem>>
        %dma_start3A_522 = arith.constant 0 : i32
        %dma_start3A_523 = tpu.memref_slice %arg6[%squeeze3A_519, %dma_start3A_522] : memref<1000000x32xf32, #tpu.memory_space<hbm>> -> memref<1x32xf32, #tpu.memory_space<hbm>>
        %dma_start3A_524 = arith.constant 0 : i32
        %dma_start3A_525 = tpu.memref_slice %arg13[%add3A_497, %dma_start3A_524] : memref<128x32xf32, #tpu.memory_space<vmem>> -> memref<1x32xf32, #tpu.memory_space<vmem>>
        %dma_start3A_526 = arith.constant 0 : i32
        %dma_start3A_527 = tpu.memref_slice %arg6[%squeeze3A_519, %dma_start3A_526] : memref<1000000x32xf32, #tpu.memory_space<hbm>> -> memref<1x32xf32, #tpu.memory_space<hbm>>
        tpu.enqueue_dma source(%dma_start3A_527 : memref<1x32xf32, #tpu.memory_space<hbm>>) target(%dma_start3A_525 : memref<1x32xf32, #tpu.memory_space<vmem>>) target_semaphore(%arg17 : memref<!tpu.dma_semaphore, #tpu.memory_space<semaphore_mem>>)
        %mul3A_528 = arith.constant 16 : i32
        %mul3A_529 = arith.muli %scan3A_40, %mul3A_528 : i32
        %add3A_530 = arith.constant 14 : i32
        %add3A_531 = arith.addi %mul3A_529, %add3A_530 : i32
        %slice3A_532 = vector.extract_strided_slice %get3A_44 {offsets = [14], sizes = [1], strides = [1]} : vector<16xi32> to vector<1xi32>
        %squeeze3A_533 = vector.extract %slice3A_532[0] : i32 from vector<1xi32>
        %dma_start3A_534 = arith.constant 0 : i32
        %dma_start3A_535 = tpu.memref_slice %arg11[%add3A_531, %dma_start3A_534] : memref<128x32xf32, #tpu.memory_space<vmem>> -> memref<1x32xf32, #tpu.memory_space<vmem>>
        %dma_start3A_536 = arith.constant 0 : i32
        %dma_start3A_537 = tpu.memref_slice %arg5[%squeeze3A_533, %dma_start3A_536] : memref<1000000x32xf32, #tpu.memory_space<hbm>> -> memref<1x32xf32, #tpu.memory_space<hbm>>
        %dma_start3A_538 = arith.constant 0 : i32
        %dma_start3A_539 = tpu.memref_slice %arg11[%add3A_531, %dma_start3A_538] : memref<128x32xf32, #tpu.memory_space<vmem>> -> memref<1x32xf32, #tpu.memory_space<vmem>>
        %dma_start3A_540 = arith.constant 0 : i32
        %dma_start3A_541 = tpu.memref_slice %arg5[%squeeze3A_533, %dma_start3A_540] : memref<1000000x32xf32, #tpu.memory_space<hbm>> -> memref<1x32xf32, #tpu.memory_space<hbm>>
        tpu.enqueue_dma source(%dma_start3A_541 : memref<1x32xf32, #tpu.memory_space<hbm>>) target(%dma_start3A_539 : memref<1x32xf32, #tpu.memory_space<vmem>>) target_semaphore(%arg15 : memref<!tpu.dma_semaphore, #tpu.memory_space<semaphore_mem>>)
        %slice3A_542 = vector.extract_strided_slice %get3A_49 {offsets = [14], sizes = [1], strides = [1]} : vector<16xi32> to vector<1xi32>
        %squeeze3A_543 = vector.extract %slice3A_542[0] : i32 from vector<1xi32>
        %dma_start3A_544 = arith.constant 0 : i32
        %dma_start3A_545 = tpu.memref_slice %arg12[%add3A_531, %dma_start3A_544] : memref<128x32xf32, #tpu.memory_space<vmem>> -> memref<1x32xf32, #tpu.memory_space<vmem>>
        %dma_start3A_546 = arith.constant 0 : i32
        %dma_start3A_547 = tpu.memref_slice %arg6[%squeeze3A_543, %dma_start3A_546] : memref<1000000x32xf32, #tpu.memory_space<hbm>> -> memref<1x32xf32, #tpu.memory_space<hbm>>
        %dma_start3A_548 = arith.constant 0 : i32
        %dma_start3A_549 = tpu.memref_slice %arg12[%add3A_531, %dma_start3A_548] : memref<128x32xf32, #tpu.memory_space<vmem>> -> memref<1x32xf32, #tpu.memory_space<vmem>>
        %dma_start3A_550 = arith.constant 0 : i32
        %dma_start3A_551 = tpu.memref_slice %arg6[%squeeze3A_543, %dma_start3A_550] : memref<1000000x32xf32, #tpu.memory_space<hbm>> -> memref<1x32xf32, #tpu.memory_space<hbm>>
        tpu.enqueue_dma source(%dma_start3A_551 : memref<1x32xf32, #tpu.memory_space<hbm>>) target(%dma_start3A_549 : memref<1x32xf32, #tpu.memory_space<vmem>>) target_semaphore(%arg16 : memref<!tpu.dma_semaphore, #tpu.memory_space<semaphore_mem>>)
        %slice3A_552 = vector.extract_strided_slice %get3A_54 {offsets = [14], sizes = [1], strides = [1]} : vector<16xi32> to vector<1xi32>
        %squeeze3A_553 = vector.extract %slice3A_552[0] : i32 from vector<1xi32>
        %dma_start3A_554 = arith.constant 0 : i32
        %dma_start3A_555 = tpu.memref_slice %arg13[%add3A_531, %dma_start3A_554] : memref<128x32xf32, #tpu.memory_space<vmem>> -> memref<1x32xf32, #tpu.memory_space<vmem>>
        %dma_start3A_556 = arith.constant 0 : i32
        %dma_start3A_557 = tpu.memref_slice %arg6[%squeeze3A_553, %dma_start3A_556] : memref<1000000x32xf32, #tpu.memory_space<hbm>> -> memref<1x32xf32, #tpu.memory_space<hbm>>
        %dma_start3A_558 = arith.constant 0 : i32
        %dma_start3A_559 = tpu.memref_slice %arg13[%add3A_531, %dma_start3A_558] : memref<128x32xf32, #tpu.memory_space<vmem>> -> memref<1x32xf32, #tpu.memory_space<vmem>>
        %dma_start3A_560 = arith.constant 0 : i32
        %dma_start3A_561 = tpu.memref_slice %arg6[%squeeze3A_553, %dma_start3A_560] : memref<1000000x32xf32, #tpu.memory_space<hbm>> -> memref<1x32xf32, #tpu.memory_space<hbm>>
        tpu.enqueue_dma source(%dma_start3A_561 : memref<1x32xf32, #tpu.memory_space<hbm>>) target(%dma_start3A_559 : memref<1x32xf32, #tpu.memory_space<vmem>>) target_semaphore(%arg17 : memref<!tpu.dma_semaphore, #tpu.memory_space<semaphore_mem>>)
        %mul3A_562 = arith.constant 16 : i32
        %mul3A_563 = arith.muli %scan3A_40, %mul3A_562 : i32
        %add3A_564 = arith.constant 15 : i32
        %add3A_565 = arith.addi %mul3A_563, %add3A_564 : i32
        %slice3A_566 = vector.extract_strided_slice %get3A_44 {offsets = [15], sizes = [1], strides = [1]} : vector<16xi32> to vector<1xi32>
        %squeeze3A_567 = vector.extract %slice3A_566[0] : i32 from vector<1xi32>
        %dma_start3A_568 = arith.constant 0 : i32
        %dma_start3A_569 = tpu.memref_slice %arg11[%add3A_565, %dma_start3A_568] : memref<128x32xf32, #tpu.memory_space<vmem>> -> memref<1x32xf32, #tpu.memory_space<vmem>>
        %dma_start3A_570 = arith.constant 0 : i32
        %dma_start3A_571 = tpu.memref_slice %arg5[%squeeze3A_567, %dma_start3A_570] : memref<1000000x32xf32, #tpu.memory_space<hbm>> -> memref<1x32xf32, #tpu.memory_space<hbm>>
        %dma_start3A_572 = arith.constant 0 : i32
        %dma_start3A_573 = tpu.memref_slice %arg11[%add3A_565, %dma_start3A_572] : memref<128x32xf32, #tpu.memory_space<vmem>> -> memref<1x32xf32, #tpu.memory_space<vmem>>
        %dma_start3A_574 = arith.constant 0 : i32
        %dma_start3A_575 = tpu.memref_slice %arg5[%squeeze3A_567, %dma_start3A_574] : memref<1000000x32xf32, #tpu.memory_space<hbm>> -> memref<1x32xf32, #tpu.memory_space<hbm>>
        tpu.enqueue_dma source(%dma_start3A_575 : memref<1x32xf32, #tpu.memory_space<hbm>>) target(%dma_start3A_573 : memref<1x32xf32, #tpu.memory_space<vmem>>) target_semaphore(%arg15 : memref<!tpu.dma_semaphore, #tpu.memory_space<semaphore_mem>>)
        %slice3A_576 = vector.extract_strided_slice %get3A_49 {offsets = [15], sizes = [1], strides = [1]} : vector<16xi32> to vector<1xi32>
        %squeeze3A_577 = vector.extract %slice3A_576[0] : i32 from vector<1xi32>
        %dma_start3A_578 = arith.constant 0 : i32
        %dma_start3A_579 = tpu.memref_slice %arg12[%add3A_565, %dma_start3A_578] : memref<128x32xf32, #tpu.memory_space<vmem>> -> memref<1x32xf32, #tpu.memory_space<vmem>>
        %dma_start3A_580 = arith.constant 0 : i32
        %dma_start3A_581 = tpu.memref_slice %arg6[%squeeze3A_577, %dma_start3A_580] : memref<1000000x32xf32, #tpu.memory_space<hbm>> -> memref<1x32xf32, #tpu.memory_space<hbm>>
        %dma_start3A_582 = arith.constant 0 : i32
        %dma_start3A_583 = tpu.memref_slice %arg12[%add3A_565, %dma_start3A_582] : memref<128x32xf32, #tpu.memory_space<vmem>> -> memref<1x32xf32, #tpu.memory_space<vmem>>
        %dma_start3A_584 = arith.constant 0 : i32
        %dma_start3A_585 = tpu.memref_slice %arg6[%squeeze3A_577, %dma_start3A_584] : memref<1000000x32xf32, #tpu.memory_space<hbm>> -> memref<1x32xf32, #tpu.memory_space<hbm>>
        tpu.enqueue_dma source(%dma_start3A_585 : memref<1x32xf32, #tpu.memory_space<hbm>>) target(%dma_start3A_583 : memref<1x32xf32, #tpu.memory_space<vmem>>) target_semaphore(%arg16 : memref<!tpu.dma_semaphore, #tpu.memory_space<semaphore_mem>>)
        %slice3A_586 = vector.extract_strided_slice %get3A_54 {offsets = [15], sizes = [1], strides = [1]} : vector<16xi32> to vector<1xi32>
        %squeeze3A_587 = vector.extract %slice3A_586[0] : i32 from vector<1xi32>
        %dma_start3A_588 = arith.constant 0 : i32
        %dma_start3A_589 = tpu.memref_slice %arg13[%add3A_565, %dma_start3A_588] : memref<128x32xf32, #tpu.memory_space<vmem>> -> memref<1x32xf32, #tpu.memory_space<vmem>>
        %dma_start3A_590 = arith.constant 0 : i32
        %dma_start3A_591 = tpu.memref_slice %arg6[%squeeze3A_587, %dma_start3A_590] : memref<1000000x32xf32, #tpu.memory_space<hbm>> -> memref<1x32xf32, #tpu.memory_space<hbm>>
        %dma_start3A_592 = arith.constant 0 : i32
        %dma_start3A_593 = tpu.memref_slice %arg13[%add3A_565, %dma_start3A_592] : memref<128x32xf32, #tpu.memory_space<vmem>> -> memref<1x32xf32, #tpu.memory_space<vmem>>
        %dma_start3A_594 = arith.constant 0 : i32
        %dma_start3A_595 = tpu.memref_slice %arg6[%squeeze3A_587, %dma_start3A_594] : memref<1000000x32xf32, #tpu.memory_space<hbm>> -> memref<1x32xf32, #tpu.memory_space<hbm>>
        tpu.enqueue_dma source(%dma_start3A_595 : memref<1x32xf32, #tpu.memory_space<hbm>>) target(%dma_start3A_593 : memref<1x32xf32, #tpu.memory_space<vmem>>) target_semaphore(%arg17 : memref<!tpu.dma_semaphore, #tpu.memory_space<semaphore_mem>>)
      }
      %scan3A_16 = arith.constant 8 : i32
      %dma_wait3A = arith.constant 0 : i32
      %dma_wait3A_17 = arith.constant 0 : i32
      %dma_wait3A_18 = tpu.memref_slice %arg5[%dma_wait3A, %dma_wait3A_17] : memref<1000000x32xf32, #tpu.memory_space<hbm>> -> memref<128x32xf32, #tpu.memory_space<hbm>>
      %dma_wait3A_19 = arith.constant 0 : i32
      %dma_wait3A_20 = arith.constant 0 : i32
      %dma_wait3A_21 = tpu.memref_slice %arg5[%dma_wait3A_19, %dma_wait3A_20] : memref<1000000x32xf32, #tpu.memory_space<hbm>> -> memref<128x32xf32, #tpu.memory_space<hbm>>
      tpu.wait_dma2 semaphore(%arg15 : memref<!tpu.dma_semaphore, #tpu.memory_space<semaphore_mem>>) src(%dma_wait3A_21 : memref<128x32xf32, #tpu.memory_space<hbm>>) dst(%arg11 : memref<128x32xf32, #tpu.memory_space<vmem>>)
      %dma_wait3A_22 = arith.constant 0 : i32
      %dma_wait3A_23 = arith.constant 0 : i32
      %dma_wait3A_24 = tpu.memref_slice %arg6[%dma_wait3A_22, %dma_wait3A_23] : memref<1000000x32xf32, #tpu.memory_space<hbm>> -> memref<128x32xf32, #tpu.memory_space<hbm>>
      %dma_wait3A_25 = arith.constant 0 : i32
      %dma_wait3A_26 = arith.constant 0 : i32
      %dma_wait3A_27 = tpu.memref_slice %arg6[%dma_wait3A_25, %dma_wait3A_26] : memref<1000000x32xf32, #tpu.memory_space<hbm>> -> memref<128x32xf32, #tpu.memory_space<hbm>>
      tpu.wait_dma2 semaphore(%arg16 : memref<!tpu.dma_semaphore, #tpu.memory_space<semaphore_mem>>) src(%dma_wait3A_27 : memref<128x32xf32, #tpu.memory_space<hbm>>) dst(%arg12 : memref<128x32xf32, #tpu.memory_space<vmem>>)
      %dma_wait3A_28 = arith.constant 0 : i32
      %dma_wait3A_29 = arith.constant 0 : i32
      %dma_wait3A_30 = tpu.memref_slice %arg6[%dma_wait3A_28, %dma_wait3A_29] : memref<1000000x32xf32, #tpu.memory_space<hbm>> -> memref<128x32xf32, #tpu.memory_space<hbm>>
      %dma_wait3A_31 = arith.constant 0 : i32
      %dma_wait3A_32 = arith.constant 0 : i32
      %dma_wait3A_33 = tpu.memref_slice %arg6[%dma_wait3A_31, %dma_wait3A_32] : memref<1000000x32xf32, #tpu.memory_space<hbm>> -> memref<128x32xf32, #tpu.memory_space<hbm>>
      tpu.wait_dma2 semaphore(%arg17 : memref<!tpu.dma_semaphore, #tpu.memory_space<semaphore_mem>>) src(%dma_wait3A_33 : memref<128x32xf32, #tpu.memory_space<hbm>>) dst(%arg13 : memref<128x32xf32, #tpu.memory_space<vmem>>)
      %scan3A_34 = arith.constant 0 : i32
      %scan3A_35 = arith.constant 0 : i32
      %scan3A_36 = arith.constant 8 : i32
      %scan3A_37 = arith.addi %scan3A_35, %scan3A_36 : i32
      %scan3A_38 = arith.constant 1 : i32
      scf.for %scan3A_40 = %scan3A_35 to %scan3A_37 step %scan3A_38  : i32 {
        %mul3A_41 = arith.constant 16 : i32
        %mul3A_42 = arith.muli %scan3A_40, %mul3A_41 : i32
        %add3A_43 = vector.broadcast %mul3A_42 : i32 to vector<16xi32>
        %add3A_44 = arith.addi %iota3A, %add3A_43 : vector<16xi32>
        %broadcast_in_dim3A = arith.constant 0.000000e+00 : f32
        %broadcast_in_dim3A_45 = vector.broadcast %broadcast_in_dim3A : f32 to vector<16xf32>
        %broadcast_in_dim3A_46 = arith.constant 0 : i32
        %broadcast_in_dim3A_47 = vector.broadcast %broadcast_in_dim3A_46 : i32 to vector<16xi32>
        %gather3A = tpu.vector_load_idx %arg11[%add3A_44, %broadcast_in_dim3A_47] : memref<128x32xf32, #tpu.memory_space<vmem>>[vector<16xi32>, vector<16xi32>], vector<16xf32>,
        %gather3A_48 = tpu.vector_load_idx %arg12[%add3A_44, %broadcast_in_dim3A_47] : memref<128x32xf32, #tpu.memory_space<vmem>>[vector<16xi32>, vector<16xi32>], vector<16xf32>,
        %gather3A_49 = tpu.vector_load_idx %arg13[%add3A_44, %broadcast_in_dim3A_47] : memref<128x32xf32, #tpu.memory_space<vmem>>[vector<16xi32>, vector<16xi32>], vector<16xf32>,
        %sub3A = arith.subf %gather3A_48, %gather3A_49 : vector<16xf32>
        %mul3A_50 = arith.mulf %gather3A, %sub3A : vector<16xf32>
        %add3A_51 = arith.addf %broadcast_in_dim3A_45, %mul3A_50 : vector<16xf32>
        %broadcast_in_dim3A_52 = arith.constant 1 : i32
        %broadcast_in_dim3A_53 = vector.broadcast %broadcast_in_dim3A_52 : i32 to vector<16xi32>
        %gather3A_54 = tpu.vector_load_idx %arg11[%add3A_44, %broadcast_in_dim3A_53] : memref<128x32xf32, #tpu.memory_space<vmem>>[vector<16xi32>, vector<16xi32>], vector<16xf32>,
        %gather3A_55 = tpu.vector_load_idx %arg12[%add3A_44, %broadcast_in_dim3A_53] : memref<128x32xf32, #tpu.memory_space<vmem>>[vector<16xi32>, vector<16xi32>], vector<16xf32>,
        %gather3A_56 = tpu.vector_load_idx %arg13[%add3A_44, %broadcast_in_dim3A_53] : memref<128x32xf32, #tpu.memory_space<vmem>>[vector<16xi32>, vector<16xi32>], vector<16xf32>,
        %sub3A_57 = arith.subf %gather3A_55, %gather3A_56 : vector<16xf32>
        %mul3A_58 = arith.mulf %gather3A_54, %sub3A_57 : vector<16xf32>
        %add3A_59 = arith.addf %add3A_51, %mul3A_58 : vector<16xf32>
        %broadcast_in_dim3A_60 = arith.constant 2 : i32
        %broadcast_in_dim3A_61 = vector.broadcast %broadcast_in_dim3A_60 : i32 to vector<16xi32>
        %gather3A_62 = tpu.vector_load_idx %arg11[%add3A_44, %broadcast_in_dim3A_61] : memref<128x32xf32, #tpu.memory_space<vmem>>[vector<16xi32>, vector<16xi32>], vector<16xf32>,
        %gather3A_63 = tpu.vector_load_idx %arg12[%add3A_44, %broadcast_in_dim3A_61] : memref<128x32xf32, #tpu.memory_space<vmem>>[vector<16xi32>, vector<16xi32>], vector<16xf32>,
        %gather3A_64 = tpu.vector_load_idx %arg13[%add3A_44, %broadcast_in_dim3A_61] : memref<128x32xf32, #tpu.memory_space<vmem>>[vector<16xi32>, vector<16xi32>], vector<16xf32>,
        %sub3A_65 = arith.subf %gather3A_63, %gather3A_64 : vector<16xf32>
        %mul3A_66 = arith.mulf %gather3A_62, %sub3A_65 : vector<16xf32>
        %add3A_67 = arith.addf %add3A_59, %mul3A_66 : vector<16xf32>
        %broadcast_in_dim3A_68 = arith.constant 3 : i32
        %broadcast_in_dim3A_69 = vector.broadcast %broadcast_in_dim3A_68 : i32 to vector<16xi32>
        %gather3A_70 = tpu.vector_load_idx %arg11[%add3A_44, %broadcast_in_dim3A_69] : memref<128x32xf32, #tpu.memory_space<vmem>>[vector<16xi32>, vector<16xi32>], vector<16xf32>,
        %gather3A_71 = tpu.vector_load_idx %arg12[%add3A_44, %broadcast_in_dim3A_69] : memref<128x32xf32, #tpu.memory_space<vmem>>[vector<16xi32>, vector<16xi32>], vector<16xf32>,
        %gather3A_72 = tpu.vector_load_idx %arg13[%add3A_44, %broadcast_in_dim3A_69] : memref<128x32xf32, #tpu.memory_space<vmem>>[vector<16xi32>, vector<16xi32>], vector<16xf32>,
        %sub3A_73 = arith.subf %gather3A_71, %gather3A_72 : vector<16xf32>
        %mul3A_74 = arith.mulf %gather3A_70, %sub3A_73 : vector<16xf32>
        %add3A_75 = arith.addf %add3A_67, %mul3A_74 : vector<16xf32>
        %broadcast_in_dim3A_76 = arith.constant 4 : i32
        %broadcast_in_dim3A_77 = vector.broadcast %broadcast_in_dim3A_76 : i32 to vector<16xi32>
        %gather3A_78 = tpu.vector_load_idx %arg11[%add3A_44, %broadcast_in_dim3A_77] : memref<128x32xf32, #tpu.memory_space<vmem>>[vector<16xi32>, vector<16xi32>], vector<16xf32>,
        %gather3A_79 = tpu.vector_load_idx %arg12[%add3A_44, %broadcast_in_dim3A_77] : memref<128x32xf32, #tpu.memory_space<vmem>>[vector<16xi32>, vector<16xi32>], vector<16xf32>,
        %gather3A_80 = tpu.vector_load_idx %arg13[%add3A_44, %broadcast_in_dim3A_77] : memref<128x32xf32, #tpu.memory_space<vmem>>[vector<16xi32>, vector<16xi32>], vector<16xf32>,
        %sub3A_81 = arith.subf %gather3A_79, %gather3A_80 : vector<16xf32>
        %mul3A_82 = arith.mulf %gather3A_78, %sub3A_81 : vector<16xf32>
        %add3A_83 = arith.addf %add3A_75, %mul3A_82 : vector<16xf32>
        %broadcast_in_dim3A_84 = arith.constant 5 : i32
        %broadcast_in_dim3A_85 = vector.broadcast %broadcast_in_dim3A_84 : i32 to vector<16xi32>
        %gather3A_86 = tpu.vector_load_idx %arg11[%add3A_44, %broadcast_in_dim3A_85] : memref<128x32xf32, #tpu.memory_space<vmem>>[vector<16xi32>, vector<16xi32>], vector<16xf32>,
        %gather3A_87 = tpu.vector_load_idx %arg12[%add3A_44, %broadcast_in_dim3A_85] : memref<128x32xf32, #tpu.memory_space<vmem>>[vector<16xi32>, vector<16xi32>], vector<16xf32>,
        %gather3A_88 = tpu.vector_load_idx %arg13[%add3A_44, %broadcast_in_dim3A_85] : memref<128x32xf32, #tpu.memory_space<vmem>>[vector<16xi32>, vector<16xi32>], vector<16xf32>,
        %sub3A_89 = arith.subf %gather3A_87, %gather3A_88 : vector<16xf32>
        %mul3A_90 = arith.mulf %gather3A_86, %sub3A_89 : vector<16xf32>
        %add3A_91 = arith.addf %add3A_83, %mul3A_90 : vector<16xf32>
        %broadcast_in_dim3A_92 = arith.constant 6 : i32
        %broadcast_in_dim3A_93 = vector.broadcast %broadcast_in_dim3A_92 : i32 to vector<16xi32>
        %gather3A_94 = tpu.vector_load_idx %arg11[%add3A_44, %broadcast_in_dim3A_93] : memref<128x32xf32, #tpu.memory_space<vmem>>[vector<16xi32>, vector<16xi32>], vector<16xf32>,
        %gather3A_95 = tpu.vector_load_idx %arg12[%add3A_44, %broadcast_in_dim3A_93] : memref<128x32xf32, #tpu.memory_space<vmem>>[vector<16xi32>, vector<16xi32>], vector<16xf32>,
        %gather3A_96 = tpu.vector_load_idx %arg13[%add3A_44, %broadcast_in_dim3A_93] : memref<128x32xf32, #tpu.memory_space<vmem>>[vector<16xi32>, vector<16xi32>], vector<16xf32>,
        %sub3A_97 = arith.subf %gather3A_95, %gather3A_96 : vector<16xf32>
        %mul3A_98 = arith.mulf %gather3A_94, %sub3A_97 : vector<16xf32>
        %add3A_99 = arith.addf %add3A_91, %mul3A_98 : vector<16xf32>
        %broadcast_in_dim3A_100 = arith.constant 7 : i32
        %broadcast_in_dim3A_101 = vector.broadcast %broadcast_in_dim3A_100 : i32 to vector<16xi32>
        %gather3A_102 = tpu.vector_load_idx %arg11[%add3A_44, %broadcast_in_dim3A_101] : memref<128x32xf32, #tpu.memory_space<vmem>>[vector<16xi32>, vector<16xi32>], vector<16xf32>,
        %gather3A_103 = tpu.vector_load_idx %arg12[%add3A_44, %broadcast_in_dim3A_101] : memref<128x32xf32, #tpu.memory_space<vmem>>[vector<16xi32>, vector<16xi32>], vector<16xf32>,
        %gather3A_104 = tpu.vector_load_idx %arg13[%add3A_44, %broadcast_in_dim3A_101] : memref<128x32xf32, #tpu.memory_space<vmem>>[vector<16xi32>, vector<16xi32>], vector<16xf32>,
        %sub3A_105 = arith.subf %gather3A_103, %gather3A_104 : vector<16xf32>
        %mul3A_106 = arith.mulf %gather3A_102, %sub3A_105 : vector<16xf32>
        %add3A_107 = arith.addf %add3A_99, %mul3A_106 : vector<16xf32>
        %broadcast_in_dim3A_108 = arith.constant 8 : i32
        %broadcast_in_dim3A_109 = vector.broadcast %broadcast_in_dim3A_108 : i32 to vector<16xi32>
        %gather3A_110 = tpu.vector_load_idx %arg11[%add3A_44, %broadcast_in_dim3A_109] : memref<128x32xf32, #tpu.memory_space<vmem>>[vector<16xi32>, vector<16xi32>], vector<16xf32>,
        %gather3A_111 = tpu.vector_load_idx %arg12[%add3A_44, %broadcast_in_dim3A_109] : memref<128x32xf32, #tpu.memory_space<vmem>>[vector<16xi32>, vector<16xi32>], vector<16xf32>,
        %gather3A_112 = tpu.vector_load_idx %arg13[%add3A_44, %broadcast_in_dim3A_109] : memref<128x32xf32, #tpu.memory_space<vmem>>[vector<16xi32>, vector<16xi32>], vector<16xf32>,
        %sub3A_113 = arith.subf %gather3A_111, %gather3A_112 : vector<16xf32>
        %mul3A_114 = arith.mulf %gather3A_110, %sub3A_113 : vector<16xf32>
        %add3A_115 = arith.addf %add3A_107, %mul3A_114 : vector<16xf32>
        %broadcast_in_dim3A_116 = arith.constant 9 : i32
        %broadcast_in_dim3A_117 = vector.broadcast %broadcast_in_dim3A_116 : i32 to vector<16xi32>
        %gather3A_118 = tpu.vector_load_idx %arg11[%add3A_44, %broadcast_in_dim3A_117] : memref<128x32xf32, #tpu.memory_space<vmem>>[vector<16xi32>, vector<16xi32>], vector<16xf32>,
        %gather3A_119 = tpu.vector_load_idx %arg12[%add3A_44, %broadcast_in_dim3A_117] : memref<128x32xf32, #tpu.memory_space<vmem>>[vector<16xi32>, vector<16xi32>], vector<16xf32>,
        %gather3A_120 = tpu.vector_load_idx %arg13[%add3A_44, %broadcast_in_dim3A_117] : memref<128x32xf32, #tpu.memory_space<vmem>>[vector<16xi32>, vector<16xi32>], vector<16xf32>,
        %sub3A_121 = arith.subf %gather3A_119, %gather3A_120 : vector<16xf32>
        %mul3A_122 = arith.mulf %gather3A_118, %sub3A_121 : vector<16xf32>
        %add3A_123 = arith.addf %add3A_115, %mul3A_122 : vector<16xf32>
        %broadcast_in_dim3A_124 = arith.constant 10 : i32
        %broadcast_in_dim3A_125 = vector.broadcast %broadcast_in_dim3A_124 : i32 to vector<16xi32>
        %gather3A_126 = tpu.vector_load_idx %arg11[%add3A_44, %broadcast_in_dim3A_125] : memref<128x32xf32, #tpu.memory_space<vmem>>[vector<16xi32>, vector<16xi32>], vector<16xf32>,
        %gather3A_127 = tpu.vector_load_idx %arg12[%add3A_44, %broadcast_in_dim3A_125] : memref<128x32xf32, #tpu.memory_space<vmem>>[vector<16xi32>, vector<16xi32>], vector<16xf32>,
        %gather3A_128 = tpu.vector_load_idx %arg13[%add3A_44, %broadcast_in_dim3A_125] : memref<128x32xf32, #tpu.memory_space<vmem>>[vector<16xi32>, vector<16xi32>], vector<16xf32>,
        %sub3A_129 = arith.subf %gather3A_127, %gather3A_128 : vector<16xf32>
        %mul3A_130 = arith.mulf %gather3A_126, %sub3A_129 : vector<16xf32>
        %add3A_131 = arith.addf %add3A_123, %mul3A_130 : vector<16xf32>
        %broadcast_in_dim3A_132 = arith.constant 11 : i32
        %broadcast_in_dim3A_133 = vector.broadcast %broadcast_in_dim3A_132 : i32 to vector<16xi32>
        %gather3A_134 = tpu.vector_load_idx %arg11[%add3A_44, %broadcast_in_dim3A_133] : memref<128x32xf32, #tpu.memory_space<vmem>>[vector<16xi32>, vector<16xi32>], vector<16xf32>,
        %gather3A_135 = tpu.vector_load_idx %arg12[%add3A_44, %broadcast_in_dim3A_133] : memref<128x32xf32, #tpu.memory_space<vmem>>[vector<16xi32>, vector<16xi32>], vector<16xf32>,
        %gather3A_136 = tpu.vector_load_idx %arg13[%add3A_44, %broadcast_in_dim3A_133] : memref<128x32xf32, #tpu.memory_space<vmem>>[vector<16xi32>, vector<16xi32>], vector<16xf32>,
        %sub3A_137 = arith.subf %gather3A_135, %gather3A_136 : vector<16xf32>
        %mul3A_138 = arith.mulf %gather3A_134, %sub3A_137 : vector<16xf32>
        %add3A_139 = arith.addf %add3A_131, %mul3A_138 : vector<16xf32>
        %broadcast_in_dim3A_140 = arith.constant 12 : i32
        %broadcast_in_dim3A_141 = vector.broadcast %broadcast_in_dim3A_140 : i32 to vector<16xi32>
        %gather3A_142 = tpu.vector_load_idx %arg11[%add3A_44, %broadcast_in_dim3A_141] : memref<128x32xf32, #tpu.memory_space<vmem>>[vector<16xi32>, vector<16xi32>], vector<16xf32>,
        %gather3A_143 = tpu.vector_load_idx %arg12[%add3A_44, %broadcast_in_dim3A_141] : memref<128x32xf32, #tpu.memory_space<vmem>>[vector<16xi32>, vector<16xi32>], vector<16xf32>,
        %gather3A_144 = tpu.vector_load_idx %arg13[%add3A_44, %broadcast_in_dim3A_141] : memref<128x32xf32, #tpu.memory_space<vmem>>[vector<16xi32>, vector<16xi32>], vector<16xf32>,
        %sub3A_145 = arith.subf %gather3A_143, %gather3A_144 : vector<16xf32>
        %mul3A_146 = arith.mulf %gather3A_142, %sub3A_145 : vector<16xf32>
        %add3A_147 = arith.addf %add3A_139, %mul3A_146 : vector<16xf32>
        %broadcast_in_dim3A_148 = arith.constant 13 : i32
        %broadcast_in_dim3A_149 = vector.broadcast %broadcast_in_dim3A_148 : i32 to vector<16xi32>
        %gather3A_150 = tpu.vector_load_idx %arg11[%add3A_44, %broadcast_in_dim3A_149] : memref<128x32xf32, #tpu.memory_space<vmem>>[vector<16xi32>, vector<16xi32>], vector<16xf32>,
        %gather3A_151 = tpu.vector_load_idx %arg12[%add3A_44, %broadcast_in_dim3A_149] : memref<128x32xf32, #tpu.memory_space<vmem>>[vector<16xi32>, vector<16xi32>], vector<16xf32>,
        %gather3A_152 = tpu.vector_load_idx %arg13[%add3A_44, %broadcast_in_dim3A_149] : memref<128x32xf32, #tpu.memory_space<vmem>>[vector<16xi32>, vector<16xi32>], vector<16xf32>,
        %sub3A_153 = arith.subf %gather3A_151, %gather3A_152 : vector<16xf32>
        %mul3A_154 = arith.mulf %gather3A_150, %sub3A_153 : vector<16xf32>
        %add3A_155 = arith.addf %add3A_147, %mul3A_154 : vector<16xf32>
        %broadcast_in_dim3A_156 = arith.constant 14 : i32
        %broadcast_in_dim3A_157 = vector.broadcast %broadcast_in_dim3A_156 : i32 to vector<16xi32>
        %gather3A_158 = tpu.vector_load_idx %arg11[%add3A_44, %broadcast_in_dim3A_157] : memref<128x32xf32, #tpu.memory_space<vmem>>[vector<16xi32>, vector<16xi32>], vector<16xf32>,
        %gather3A_159 = tpu.vector_load_idx %arg12[%add3A_44, %broadcast_in_dim3A_157] : memref<128x32xf32, #tpu.memory_space<vmem>>[vector<16xi32>, vector<16xi32>], vector<16xf32>,
        %gather3A_160 = tpu.vector_load_idx %arg13[%add3A_44, %broadcast_in_dim3A_157] : memref<128x32xf32, #tpu.memory_space<vmem>>[vector<16xi32>, vector<16xi32>], vector<16xf32>,
        %sub3A_161 = arith.subf %gather3A_159, %gather3A_160 : vector<16xf32>
        %mul3A_162 = arith.mulf %gather3A_158, %sub3A_161 : vector<16xf32>
        %add3A_163 = arith.addf %add3A_155, %mul3A_162 : vector<16xf32>
        %broadcast_in_dim3A_164 = arith.constant 15 : i32
        %broadcast_in_dim3A_165 = vector.broadcast %broadcast_in_dim3A_164 : i32 to vector<16xi32>
        %gather3A_166 = tpu.vector_load_idx %arg11[%add3A_44, %broadcast_in_dim3A_165] : memref<128x32xf32, #tpu.memory_space<vmem>>[vector<16xi32>, vector<16xi32>], vector<16xf32>,
        %gather3A_167 = tpu.vector_load_idx %arg12[%add3A_44, %broadcast_in_dim3A_165] : memref<128x32xf32, #tpu.memory_space<vmem>>[vector<16xi32>, vector<16xi32>], vector<16xf32>,
        %gather3A_168 = tpu.vector_load_idx %arg13[%add3A_44, %broadcast_in_dim3A_165] : memref<128x32xf32, #tpu.memory_space<vmem>>[vector<16xi32>, vector<16xi32>], vector<16xf32>,
        %sub3A_169 = arith.subf %gather3A_167, %gather3A_168 : vector<16xf32>
        %mul3A_170 = arith.mulf %gather3A_166, %sub3A_169 : vector<16xf32>
        %add3A_171 = arith.addf %add3A_163, %mul3A_170 : vector<16xf32>
        %broadcast_in_dim3A_172 = arith.constant 16 : i32
        %broadcast_in_dim3A_173 = vector.broadcast %broadcast_in_dim3A_172 : i32 to vector<16xi32>
        %gather3A_174 = tpu.vector_load_idx %arg11[%add3A_44, %broadcast_in_dim3A_173] : memref<128x32xf32, #tpu.memory_space<vmem>>[vector<16xi32>, vector<16xi32>], vector<16xf32>,
        %gather3A_175 = tpu.vector_load_idx %arg12[%add3A_44, %broadcast_in_dim3A_173] : memref<128x32xf32, #tpu.memory_space<vmem>>[vector<16xi32>, vector<16xi32>], vector<16xf32>,
        %gather3A_176 = tpu.vector_load_idx %arg13[%add3A_44, %broadcast_in_dim3A_173] : memref<128x32xf32, #tpu.memory_space<vmem>>[vector<16xi32>, vector<16xi32>], vector<16xf32>,
        %sub3A_177 = arith.subf %gather3A_175, %gather3A_176 : vector<16xf32>
        %mul3A_178 = arith.mulf %gather3A_174, %sub3A_177 : vector<16xf32>
        %add3A_179 = arith.addf %add3A_171, %mul3A_178 : vector<16xf32>
        %broadcast_in_dim3A_180 = arith.constant 17 : i32
        %broadcast_in_dim3A_181 = vector.broadcast %broadcast_in_dim3A_180 : i32 to vector<16xi32>
        %gather3A_182 = tpu.vector_load_idx %arg11[%add3A_44, %broadcast_in_dim3A_181] : memref<128x32xf32, #tpu.memory_space<vmem>>[vector<16xi32>, vector<16xi32>], vector<16xf32>,
        %gather3A_183 = tpu.vector_load_idx %arg12[%add3A_44, %broadcast_in_dim3A_181] : memref<128x32xf32, #tpu.memory_space<vmem>>[vector<16xi32>, vector<16xi32>], vector<16xf32>,
        %gather3A_184 = tpu.vector_load_idx %arg13[%add3A_44, %broadcast_in_dim3A_181] : memref<128x32xf32, #tpu.memory_space<vmem>>[vector<16xi32>, vector<16xi32>], vector<16xf32>,
        %sub3A_185 = arith.subf %gather3A_183, %gather3A_184 : vector<16xf32>
        %mul3A_186 = arith.mulf %gather3A_182, %sub3A_185 : vector<16xf32>
        %add3A_187 = arith.addf %add3A_179, %mul3A_186 : vector<16xf32>
        %broadcast_in_dim3A_188 = arith.constant 18 : i32
        %broadcast_in_dim3A_189 = vector.broadcast %broadcast_in_dim3A_188 : i32 to vector<16xi32>
        %gather3A_190 = tpu.vector_load_idx %arg11[%add3A_44, %broadcast_in_dim3A_189] : memref<128x32xf32, #tpu.memory_space<vmem>>[vector<16xi32>, vector<16xi32>], vector<16xf32>,
        %gather3A_191 = tpu.vector_load_idx %arg12[%add3A_44, %broadcast_in_dim3A_189] : memref<128x32xf32, #tpu.memory_space<vmem>>[vector<16xi32>, vector<16xi32>], vector<16xf32>,
        %gather3A_192 = tpu.vector_load_idx %arg13[%add3A_44, %broadcast_in_dim3A_189] : memref<128x32xf32, #tpu.memory_space<vmem>>[vector<16xi32>, vector<16xi32>], vector<16xf32>,
        %sub3A_193 = arith.subf %gather3A_191, %gather3A_192 : vector<16xf32>
        %mul3A_194 = arith.mulf %gather3A_190, %sub3A_193 : vector<16xf32>
        %add3A_195 = arith.addf %add3A_187, %mul3A_194 : vector<16xf32>
        %broadcast_in_dim3A_196 = arith.constant 19 : i32
        %broadcast_in_dim3A_197 = vector.broadcast %broadcast_in_dim3A_196 : i32 to vector<16xi32>
        %gather3A_198 = tpu.vector_load_idx %arg11[%add3A_44, %broadcast_in_dim3A_197] : memref<128x32xf32, #tpu.memory_space<vmem>>[vector<16xi32>, vector<16xi32>], vector<16xf32>,
        %gather3A_199 = tpu.vector_load_idx %arg12[%add3A_44, %broadcast_in_dim3A_197] : memref<128x32xf32, #tpu.memory_space<vmem>>[vector<16xi32>, vector<16xi32>], vector<16xf32>,
        %gather3A_200 = tpu.vector_load_idx %arg13[%add3A_44, %broadcast_in_dim3A_197] : memref<128x32xf32, #tpu.memory_space<vmem>>[vector<16xi32>, vector<16xi32>], vector<16xf32>,
        %sub3A_201 = arith.subf %gather3A_199, %gather3A_200 : vector<16xf32>
        %mul3A_202 = arith.mulf %gather3A_198, %sub3A_201 : vector<16xf32>
        %add3A_203 = arith.addf %add3A_195, %mul3A_202 : vector<16xf32>
        %broadcast_in_dim3A_204 = arith.constant 20 : i32
        %broadcast_in_dim3A_205 = vector.broadcast %broadcast_in_dim3A_204 : i32 to vector<16xi32>
        %gather3A_206 = tpu.vector_load_idx %arg11[%add3A_44, %broadcast_in_dim3A_205] : memref<128x32xf32, #tpu.memory_space<vmem>>[vector<16xi32>, vector<16xi32>], vector<16xf32>,
        %gather3A_207 = tpu.vector_load_idx %arg12[%add3A_44, %broadcast_in_dim3A_205] : memref<128x32xf32, #tpu.memory_space<vmem>>[vector<16xi32>, vector<16xi32>], vector<16xf32>,
        %gather3A_208 = tpu.vector_load_idx %arg13[%add3A_44, %broadcast_in_dim3A_205] : memref<128x32xf32, #tpu.memory_space<vmem>>[vector<16xi32>, vector<16xi32>], vector<16xf32>,
        %sub3A_209 = arith.subf %gather3A_207, %gather3A_208 : vector<16xf32>
        %mul3A_210 = arith.mulf %gather3A_206, %sub3A_209 : vector<16xf32>
        %add3A_211 = arith.addf %add3A_203, %mul3A_210 : vector<16xf32>
        %broadcast_in_dim3A_212 = arith.constant 21 : i32
        %broadcast_in_dim3A_213 = vector.broadcast %broadcast_in_dim3A_212 : i32 to vector<16xi32>
        %gather3A_214 = tpu.vector_load_idx %arg11[%add3A_44, %broadcast_in_dim3A_213] : memref<128x32xf32, #tpu.memory_space<vmem>>[vector<16xi32>, vector<16xi32>], vector<16xf32>,
        %gather3A_215 = tpu.vector_load_idx %arg12[%add3A_44, %broadcast_in_dim3A_213] : memref<128x32xf32, #tpu.memory_space<vmem>>[vector<16xi32>, vector<16xi32>], vector<16xf32>,
        %gather3A_216 = tpu.vector_load_idx %arg13[%add3A_44, %broadcast_in_dim3A_213] : memref<128x32xf32, #tpu.memory_space<vmem>>[vector<16xi32>, vector<16xi32>], vector<16xf32>,
        %sub3A_217 = arith.subf %gather3A_215, %gather3A_216 : vector<16xf32>
        %mul3A_218 = arith.mulf %gather3A_214, %sub3A_217 : vector<16xf32>
        %add3A_219 = arith.addf %add3A_211, %mul3A_218 : vector<16xf32>
        %broadcast_in_dim3A_220 = arith.constant 22 : i32
        %broadcast_in_dim3A_221 = vector.broadcast %broadcast_in_dim3A_220 : i32 to vector<16xi32>
        %gather3A_222 = tpu.vector_load_idx %arg11[%add3A_44, %broadcast_in_dim3A_221] : memref<128x32xf32, #tpu.memory_space<vmem>>[vector<16xi32>, vector<16xi32>], vector<16xf32>,
        %gather3A_223 = tpu.vector_load_idx %arg12[%add3A_44, %broadcast_in_dim3A_221] : memref<128x32xf32, #tpu.memory_space<vmem>>[vector<16xi32>, vector<16xi32>], vector<16xf32>,
        %gather3A_224 = tpu.vector_load_idx %arg13[%add3A_44, %broadcast_in_dim3A_221] : memref<128x32xf32, #tpu.memory_space<vmem>>[vector<16xi32>, vector<16xi32>], vector<16xf32>,
        %sub3A_225 = arith.subf %gather3A_223, %gather3A_224 : vector<16xf32>
        %mul3A_226 = arith.mulf %gather3A_222, %sub3A_225 : vector<16xf32>
        %add3A_227 = arith.addf %add3A_219, %mul3A_226 : vector<16xf32>
        %broadcast_in_dim3A_228 = arith.constant 23 : i32
        %broadcast_in_dim3A_229 = vector.broadcast %broadcast_in_dim3A_228 : i32 to vector<16xi32>
        %gather3A_230 = tpu.vector_load_idx %arg11[%add3A_44, %broadcast_in_dim3A_229] : memref<128x32xf32, #tpu.memory_space<vmem>>[vector<16xi32>, vector<16xi32>], vector<16xf32>,
        %gather3A_231 = tpu.vector_load_idx %arg12[%add3A_44, %broadcast_in_dim3A_229] : memref<128x32xf32, #tpu.memory_space<vmem>>[vector<16xi32>, vector<16xi32>], vector<16xf32>,
        %gather3A_232 = tpu.vector_load_idx %arg13[%add3A_44, %broadcast_in_dim3A_229] : memref<128x32xf32, #tpu.memory_space<vmem>>[vector<16xi32>, vector<16xi32>], vector<16xf32>,
        %sub3A_233 = arith.subf %gather3A_231, %gather3A_232 : vector<16xf32>
        %mul3A_234 = arith.mulf %gather3A_230, %sub3A_233 : vector<16xf32>
        %add3A_235 = arith.addf %add3A_227, %mul3A_234 : vector<16xf32>
        %broadcast_in_dim3A_236 = arith.constant 24 : i32
        %broadcast_in_dim3A_237 = vector.broadcast %broadcast_in_dim3A_236 : i32 to vector<16xi32>
        %gather3A_238 = tpu.vector_load_idx %arg11[%add3A_44, %broadcast_in_dim3A_237] : memref<128x32xf32, #tpu.memory_space<vmem>>[vector<16xi32>, vector<16xi32>], vector<16xf32>,
        %gather3A_239 = tpu.vector_load_idx %arg12[%add3A_44, %broadcast_in_dim3A_237] : memref<128x32xf32, #tpu.memory_space<vmem>>[vector<16xi32>, vector<16xi32>], vector<16xf32>,
        %gather3A_240 = tpu.vector_load_idx %arg13[%add3A_44, %broadcast_in_dim3A_237] : memref<128x32xf32, #tpu.memory_space<vmem>>[vector<16xi32>, vector<16xi32>], vector<16xf32>,
        %sub3A_241 = arith.subf %gather3A_239, %gather3A_240 : vector<16xf32>
        %mul3A_242 = arith.mulf %gather3A_238, %sub3A_241 : vector<16xf32>
        %add3A_243 = arith.addf %add3A_235, %mul3A_242 : vector<16xf32>
        %broadcast_in_dim3A_244 = arith.constant 25 : i32
        %broadcast_in_dim3A_245 = vector.broadcast %broadcast_in_dim3A_244 : i32 to vector<16xi32>
        %gather3A_246 = tpu.vector_load_idx %arg11[%add3A_44, %broadcast_in_dim3A_245] : memref<128x32xf32, #tpu.memory_space<vmem>>[vector<16xi32>, vector<16xi32>], vector<16xf32>,
        %gather3A_247 = tpu.vector_load_idx %arg12[%add3A_44, %broadcast_in_dim3A_245] : memref<128x32xf32, #tpu.memory_space<vmem>>[vector<16xi32>, vector<16xi32>], vector<16xf32>,
        %gather3A_248 = tpu.vector_load_idx %arg13[%add3A_44, %broadcast_in_dim3A_245] : memref<128x32xf32, #tpu.memory_space<vmem>>[vector<16xi32>, vector<16xi32>], vector<16xf32>,
        %sub3A_249 = arith.subf %gather3A_247, %gather3A_248 : vector<16xf32>
        %mul3A_250 = arith.mulf %gather3A_246, %sub3A_249 : vector<16xf32>
        %add3A_251 = arith.addf %add3A_243, %mul3A_250 : vector<16xf32>
        %broadcast_in_dim3A_252 = arith.constant 26 : i32
        %broadcast_in_dim3A_253 = vector.broadcast %broadcast_in_dim3A_252 : i32 to vector<16xi32>
        %gather3A_254 = tpu.vector_load_idx %arg11[%add3A_44, %broadcast_in_dim3A_253] : memref<128x32xf32, #tpu.memory_space<vmem>>[vector<16xi32>, vector<16xi32>], vector<16xf32>,
        %gather3A_255 = tpu.vector_load_idx %arg12[%add3A_44, %broadcast_in_dim3A_253] : memref<128x32xf32, #tpu.memory_space<vmem>>[vector<16xi32>, vector<16xi32>], vector<16xf32>,
        %gather3A_256 = tpu.vector_load_idx %arg13[%add3A_44, %broadcast_in_dim3A_253] : memref<128x32xf32, #tpu.memory_space<vmem>>[vector<16xi32>, vector<16xi32>], vector<16xf32>,
        %sub3A_257 = arith.subf %gather3A_255, %gather3A_256 : vector<16xf32>
        %mul3A_258 = arith.mulf %gather3A_254, %sub3A_257 : vector<16xf32>
        %add3A_259 = arith.addf %add3A_251, %mul3A_258 : vector<16xf32>
        %broadcast_in_dim3A_260 = arith.constant 27 : i32
        %broadcast_in_dim3A_261 = vector.broadcast %broadcast_in_dim3A_260 : i32 to vector<16xi32>
        %gather3A_262 = tpu.vector_load_idx %arg11[%add3A_44, %broadcast_in_dim3A_261] : memref<128x32xf32, #tpu.memory_space<vmem>>[vector<16xi32>, vector<16xi32>], vector<16xf32>,
        %gather3A_263 = tpu.vector_load_idx %arg12[%add3A_44, %broadcast_in_dim3A_261] : memref<128x32xf32, #tpu.memory_space<vmem>>[vector<16xi32>, vector<16xi32>], vector<16xf32>,
        %gather3A_264 = tpu.vector_load_idx %arg13[%add3A_44, %broadcast_in_dim3A_261] : memref<128x32xf32, #tpu.memory_space<vmem>>[vector<16xi32>, vector<16xi32>], vector<16xf32>,
        %sub3A_265 = arith.subf %gather3A_263, %gather3A_264 : vector<16xf32>
        %mul3A_266 = arith.mulf %gather3A_262, %sub3A_265 : vector<16xf32>
        %add3A_267 = arith.addf %add3A_259, %mul3A_266 : vector<16xf32>
        %broadcast_in_dim3A_268 = arith.constant 28 : i32
        %broadcast_in_dim3A_269 = vector.broadcast %broadcast_in_dim3A_268 : i32 to vector<16xi32>
        %gather3A_270 = tpu.vector_load_idx %arg11[%add3A_44, %broadcast_in_dim3A_269] : memref<128x32xf32, #tpu.memory_space<vmem>>[vector<16xi32>, vector<16xi32>], vector<16xf32>,
        %gather3A_271 = tpu.vector_load_idx %arg12[%add3A_44, %broadcast_in_dim3A_269] : memref<128x32xf32, #tpu.memory_space<vmem>>[vector<16xi32>, vector<16xi32>], vector<16xf32>,
        %gather3A_272 = tpu.vector_load_idx %arg13[%add3A_44, %broadcast_in_dim3A_269] : memref<128x32xf32, #tpu.memory_space<vmem>>[vector<16xi32>, vector<16xi32>], vector<16xf32>,
        %sub3A_273 = arith.subf %gather3A_271, %gather3A_272 : vector<16xf32>
        %mul3A_274 = arith.mulf %gather3A_270, %sub3A_273 : vector<16xf32>
        %add3A_275 = arith.addf %add3A_267, %mul3A_274 : vector<16xf32>
        %broadcast_in_dim3A_276 = arith.constant 29 : i32
        %broadcast_in_dim3A_277 = vector.broadcast %broadcast_in_dim3A_276 : i32 to vector<16xi32>
        %gather3A_278 = tpu.vector_load_idx %arg11[%add3A_44, %broadcast_in_dim3A_277] : memref<128x32xf32, #tpu.memory_space<vmem>>[vector<16xi32>, vector<16xi32>], vector<16xf32>,
        %gather3A_279 = tpu.vector_load_idx %arg12[%add3A_44, %broadcast_in_dim3A_277] : memref<128x32xf32, #tpu.memory_space<vmem>>[vector<16xi32>, vector<16xi32>], vector<16xf32>,
        %gather3A_280 = tpu.vector_load_idx %arg13[%add3A_44, %broadcast_in_dim3A_277] : memref<128x32xf32, #tpu.memory_space<vmem>>[vector<16xi32>, vector<16xi32>], vector<16xf32>,
        %sub3A_281 = arith.subf %gather3A_279, %gather3A_280 : vector<16xf32>
        %mul3A_282 = arith.mulf %gather3A_278, %sub3A_281 : vector<16xf32>
        %add3A_283 = arith.addf %add3A_275, %mul3A_282 : vector<16xf32>
        %broadcast_in_dim3A_284 = arith.constant 30 : i32
        %broadcast_in_dim3A_285 = vector.broadcast %broadcast_in_dim3A_284 : i32 to vector<16xi32>
        %gather3A_286 = tpu.vector_load_idx %arg11[%add3A_44, %broadcast_in_dim3A_285] : memref<128x32xf32, #tpu.memory_space<vmem>>[vector<16xi32>, vector<16xi32>], vector<16xf32>,
        %gather3A_287 = tpu.vector_load_idx %arg12[%add3A_44, %broadcast_in_dim3A_285] : memref<128x32xf32, #tpu.memory_space<vmem>>[vector<16xi32>, vector<16xi32>], vector<16xf32>,
        %gather3A_288 = tpu.vector_load_idx %arg13[%add3A_44, %broadcast_in_dim3A_285] : memref<128x32xf32, #tpu.memory_space<vmem>>[vector<16xi32>, vector<16xi32>], vector<16xf32>,
        %sub3A_289 = arith.subf %gather3A_287, %gather3A_288 : vector<16xf32>
        %mul3A_290 = arith.mulf %gather3A_286, %sub3A_289 : vector<16xf32>
        %add3A_291 = arith.addf %add3A_283, %mul3A_290 : vector<16xf32>
        %broadcast_in_dim3A_292 = arith.constant 31 : i32
        %broadcast_in_dim3A_293 = vector.broadcast %broadcast_in_dim3A_292 : i32 to vector<16xi32>
        %gather3A_294 = tpu.vector_load_idx %arg11[%add3A_44, %broadcast_in_dim3A_293] : memref<128x32xf32, #tpu.memory_space<vmem>>[vector<16xi32>, vector<16xi32>], vector<16xf32>,
        %gather3A_295 = tpu.vector_load_idx %arg12[%add3A_44, %broadcast_in_dim3A_293] : memref<128x32xf32, #tpu.memory_space<vmem>>[vector<16xi32>, vector<16xi32>], vector<16xf32>,
        %gather3A_296 = tpu.vector_load_idx %arg13[%add3A_44, %broadcast_in_dim3A_293] : memref<128x32xf32, #tpu.memory_space<vmem>>[vector<16xi32>, vector<16xi32>], vector<16xf32>,
        %sub3A_297 = arith.subf %gather3A_295, %gather3A_296 : vector<16xf32>
        %mul3A_298 = arith.mulf %gather3A_294, %sub3A_297 : vector<16xf32>
        %add3A_299 = arith.addf %add3A_291, %mul3A_298 : vector<16xf32>
        %mul3A_300 = arith.constant 16 : i32
        %mul3A_301 = arith.muli %scan3A_40, %mul3A_300 : i32
        %add3A_302 = arith.addi %mul3A_10, %mul3A_301 : i32
        %swap3A = arith.index_cast %add3A_302 : i32 to index
        %swap3A_303 = tpu.vector_load %arg14[%swap3A] {strides = array<i32>} : memref<512xf32, #tpu.memory_space<vmem>>, vector<16xf32>,
        tpu.vector_store %arg14[%swap3A], %add3A_299 {strides = array<i32>} : memref<512xf32, #tpu.memory_space<vmem>>, vector<16xf32>,
      }
      %scan3A_39 = arith.constant 8 : i32
    }
    %scan3A_7 = arith.constant 4 : i32
    "tpu.region"() ({
      %run_scoped3A = tpu.sem_alloc : memref<!tpu.dma_semaphore, #tpu.memory_space<semaphore_mem>>
      %dma_start3A = tpu.memref_slice %arg7[%mul3A_2] : memref<16384xf32, #tpu.memory_space<hbm>> -> memref<512xf32, #tpu.memory_space<hbm>>
      %dma_start3A_8 = tpu.memref_slice %arg7[%mul3A_2] : memref<16384xf32, #tpu.memory_space<hbm>> -> memref<512xf32, #tpu.memory_space<hbm>>
      tpu.enqueue_dma source(%arg14 : memref<512xf32, #tpu.memory_space<vmem>>) target(%dma_start3A_8 : memref<512xf32, #tpu.memory_space<hbm>>) target_semaphore(%run_scoped3A : memref<!tpu.dma_semaphore, #tpu.memory_space<semaphore_mem>>)
      %dma_wait3A = tpu.memref_slice %arg7[%mul3A_2] : memref<16384xf32, #tpu.memory_space<hbm>> -> memref<512xf32, #tpu.memory_space<hbm>>
      %dma_wait3A_9 = tpu.memref_slice %arg7[%mul3A_2] : memref<16384xf32, #tpu.memory_space<hbm>> -> memref<512xf32, #tpu.memory_space<hbm>>
      tpu.wait_dma2 semaphore(%run_scoped3A : memref<!tpu.dma_semaphore, #tpu.memory_space<semaphore_mem>>) src(%arg14 : memref<512xf32, #tpu.memory_space<vmem>>) dst(%dma_wait3A_9 : memref<512xf32, #tpu.memory_space<hbm>>)
      tpu.yield
    }) : () -> ()
    return
  }
}

module attributes {stable_mosaic.version = 14 : i64} {
  func.func @_tc_loss_body(%arg0: memref<128x128xf32, #tpu.memory_space<vmem>>, %arg1: memref<1x1xf32, #tpu.memory_space<smem>>) attributes {dimension_semantics = [], scalar_prefetch = 0 : i64, scratch_operands = 0 : i64, tpu.core_type = #tpu.core_type<tc>} {
    %get3A = arith.constant 0 : index
    %get3A_0 = arith.constant 0 : index
    %get3A_1 = vector.load %arg0[%get3A, %get3A_0] : memref<128x128xf32, #tpu.memory_space<vmem>>, vector<128x128xf32>
    %neg3A = arith.constant 0.000000e+00 : f32
    %neg3A_2 = vector.broadcast %neg3A : f32 to vector<128x128xf32>
    %neg3A_3 = arith.subf %neg3A_2, %get3A_1 : vector<128x128xf32>
    %max3A = arith.constant 0.000000e+00 : f32
    %max3A_4 = vector.broadcast %max3A : f32 to vector<128x128xf32>
    %max3A_5 = arith.maximumf %neg3A_3, %max3A_4 : vector<128x128xf32>
    %abs3A = math.absf %neg3A_3 : vector<128x128xf32>
    %neg3A_6 = arith.constant 0.000000e+00 : f32
    %neg3A_7 = vector.broadcast %neg3A_6 : f32 to vector<128x128xf32>
    %neg3A_8 = arith.subf %neg3A_7, %abs3A : vector<128x128xf32>
    %exp3A = math.exp %neg3A_8 : vector<128x128xf32>
    %log1p3A = math.log1p %exp3A : vector<128x128xf32>
    %add3A = arith.addf %max3A_5, %log1p3A : vector<128x128xf32>
    %reduce_sum3A = vector.shape_cast %add3A : vector<128x128xf32> to vector<1x128x128xf32>
    %reduce_sum3A_9 = arith.constant dense<0.000000e+00> : vector<1xf32>
    %reduce_sum3A_10 = vector.multi_reduction <add>, %reduce_sum3A, %reduce_sum3A_9 [1, 2] : vector<1x128x128xf32> to vector<1xf32>
    %reduce_sum3A_11 = vector.shape_cast %reduce_sum3A_10 : vector<1xf32> to vector<1x1x1xf32>
    %reduce_sum3A_12 = vector.extract %reduce_sum3A_11[0, 0, 0] : f32 from vector<1x1x1xf32>
    %swap3A = arith.constant 0 : index
    %swap3A_13 = arith.constant 0 : index
    %swap3A_14 = memref.load %arg1[%swap3A, %swap3A_13] : memref<1x1xf32, #tpu.memory_space<smem>>
    memref.store %reduce_sum3A_12, %arg1[%swap3A, %swap3A_13] : memref<1x1xf32, #tpu.memory_space<smem>>
    return
  }
}

</mosaic_0001>

<sc_bundles>
// kernel: kernel.4.cloned.1.call-start
scs
__scs_entry_jumppad:
0x0: {  	(pc) =	sbr.rel $0x88, $3  }
0x1: {  	(tag) =	ssettag $0x0;
	lr =	simm.s32 $0x1  }
0x2: {  	[smem:$0x3F9C] =	sst lr;
	_ =	strace $0xD0000000  }
0x3: {  	_ = 	snop  }
0x4: {  	_ = 	snop  }
0x5: {  	_ = 	snop  }
0x6: {  	_ = 	snop  }
0x7: {  	_ = 	snop  }
__scs_overlays_trampoline_lowered:
0x8: {  	[smem:$0x3FAB] =	sst s0  }
0x9: {  	[smem:$0x3FAC] =	sst s1  }
0xa: {  	[smem:$0x3FAD] =	sst s2  }
0xb: {  	[smem:$0x3FAE] =	sst s3  }
0xc: {  	[smem:$0x3FAF] =	sst s4  }
0xd: {  	[smem:$0x3FB0] =	sst s5  }
0xe: {  	[smem:$0x3FB1] =	sst s6  }
0xf: {  	[smem:$0x3FB2] =	sst s7  }
0x10: {  	[smem:$0x3FB3] =	sst s8  }
0x11: {  	[smem:$0x3FB4] =	sst s9;
	s0 =	simm.s32 @!p0 $0x0  }
0x12: {  	s1 =	sld [smem:$0x3F9A];
	s0 =	simm.s32 @p0 $0x1  }
0x13: {  	[smem:$0x3FB5] =	sst s0;
	s0 =	simm.s32 @!p1 $0x0  }
0x14: {  	s2 =	sld [smem:$0x3F99];
	s0 =	simm.s32 @p1 $0x1  }
0x15: {  	[smem:$0x3FB6] =	sst s0;
	s0 =	simm.s32 @!p2 $0x0  }
0x16: {  	s3 =	sld [smem:$0x3FDB];
	s0 =	simm.s32 @p2 $0x1  }
0x17: {  	s4 =	simm.s32 $0x1BF5;
	[smem:$0x3FB8] =	sst s0  }
0x18: {  	s0 =	sld [smem:$0x3F9B];
	_ =	swait.ge [sflag:s4], $0x0  }
0x19: {  	s7 =	sld [smem:$0x3F9C]  }
0x1a: {  	s8 =	sadd.s32 $0xFFFFE003, lr  }
0x1b: {  	s9 =	sadd.s32 $0xFFFFFEF7, lr;
	s5 =	simm.s32 $0xFFFFFFFF;
	p2 =	slt.u32 s8, $0xFFFFF086  }
0x1c: {  	p1 =	slt.u32 s9, $0xF7A;
	s5 =	simm.s32 @!p2 $0x0  }
0x1d: {  	s5 =	simm.s32 @p1 $0x1;
	p0 =	seq.s32 s7, s2  }
0x1e: {  	s7 =	smul.u32 @!p0 $0xF7A, s2;
	p2 =	seq.s32 @!p0 s5, $0x0  }
0x1f: {  	s9 =	smul.u32 $0xF7A, s1;
	s8 =	simm.s32 @!p0 $0x1BF5;
	p2 =	por !p2, p0  }
0x20: {  	[sflag:s8] =	ssyncset.s32 @!p0 $0xFFFFF086;
	s6 =	sadd.s32 @!p0 s3, s7;
	s7 =	simm.s32 @!p0 $0x108  }
0x21: {  	s3 =	sadd.s32 s3, s9;
	s6 =	sadd.s32 @!p0 $0x88, s6;
	s7 =	simm.s32 @p2 $0x1082  }
0x22: {  	[simem:s7], [sflag:s8] =	dma.local @!p0 [hbm:s6], $0xF7A  }
0x23: {  	s9 =	sor.u32 $0xD0000000, s2;
	s6 =	simm.s32 $0x108;
	_ =	swait.ge @!p0 [sflag:s8], $0x0  }
0x24: {  	s3 =	sadd.s32 $0x88, s3;
	s6 =	simm.s32 @!p1 $0x1082;
	[sflag:s4] =	ssyncset.s32 $0xFFFFF086  }
0x25: {  	[simem:s6], [sflag:s4] =	dma.local [hbm:s3], $0xF7A  }
0x26: {  	[smem:$0x3F9C] =	sst s1;
	(tag) =	ssettag s2;
	_ =	strace s9  }
0x27: {  	s1 =	sld [smem:$0x3FAC]  }
0x28: {  	s2 =	sld [smem:$0x3FAD]  }
0x29: {  	s4 =	sld [smem:$0x3FAF]  }
0x2a: {  	p0 =	seq.s32 s5, $0x0;
	s5 =	sld [smem:$0x3FB0]  }
0x2b: {  	s6 =	sld [smem:$0x3FB1]  }
0x2c: {  	s7 =	sld [smem:$0x3FB2]  }
0x2d: {  	s3 =	simm.s32 $0x108;
	s8 =	sld [smem:$0x3FB3]  }
0x2e: {  	s3 =	simm.s32 @!p0 $0x1082;
	s9 =	sld [smem:$0x3FB4]  }
0x2f: {  	lr =	sadd.s32 s0, s3;
	s0 =	sld [smem:$0x3FAB]  }
0x30: {  	s3 =	sld [smem:$0x3FAE]  }
0x31: {  	[smem:$0x3FB7] =	sst s10  }
0x32: {  	s10 =	sld [smem:$0x3FB5];
	_ =	sdelay $0x3  }
0x33: {  	p0 =	seq.s32 s10, $0x1;
	s10 =	sld [smem:$0x3FB7];
	_ =	sdelay $0x3  }
0x34: {  	[smem:$0x3FB7] =	sst s10  }
0x35: {  	s10 =	sld [smem:$0x3FB6];
	_ =	sdelay $0x3  }
0x36: {  	p1 =	seq.s32 s10, $0x1;
	s10 =	sld [smem:$0x3FB7];
	_ =	sdelay $0x3  }
0x37: {  	[smem:$0x3FB7] =	sst s10  }
0x38: {  	s10 =	sld [smem:$0x3FB8]  }
0x39: {  	_ = 	snop;
	(pc) =	sbr.ind lr, $3  }
0x3a: {  	_ = 	snop  }
0x3b: {  	_ = 	snop  }
0x3c: {  	p2 =	seq.s32 s10, $0x1;
	s10 =	sld [smem:$0x3FB7]  }
0x3d: {  	_ =	shalt  }
0x3e: {  	_ =	shalt  }
0x3f: {  	_ =	shalt  }
0x40: {  	_ =	shalt  }
0x41: {  	_ =	shalt  }
0x42: {  	_ =	shalt  }
0x43: {  	_ =	shalt  }
0x44: {  	_ =	shalt  }
0x45: {  	_ =	shalt  }
0x46: {  	_ =	shalt  }
0x47: {  	_ =	shalt  }
0x48: {  	_ =	shalt  }
0x49: {  	_ =	shalt  }
0x4a: {  	_ =	shalt  }
0x4b: {  	_ =	shalt  }
0x4c: {  	_ =	shalt  }
0x4d: {  	_ =	shalt  }
0x4e: {  	_ =	shalt  }
0x4f: {  	_ =	shalt  }
0x50: {  	_ =	shalt  }
0x51: {  	_ =	shalt  }
0x52: {  	_ =	shalt  }
0x53: {  	_ =	shalt  }
0x54: {  	_ =	shalt  }
0x55: {  	_ =	shalt  }
0x56: {  	_ =	shalt  }
0x57: {  	_ =	shalt  }
0x58: {  	_ =	shalt  }
0x59: {  	_ =	shalt  }
0x5a: {  	_ =	shalt  }
0x5b: {  	_ =	shalt  }
0x5c: {  	_ =	shalt  }
0x5d: {  	_ =	shalt  }
0x5e: {  	_ =	shalt  }
0x5f: {  	_ =	shalt  }
0x60: {  	_ =	shalt  }
0x61: {  	_ =	shalt  }
0x62: {  	_ =	shalt  }
0x63: {  	_ =	shalt  }
0x64: {  	_ =	shalt  }
0x65: {  	_ =	shalt  }
0x66: {  	_ =	shalt  }
0x67: {  	_ =	shalt  }
0x68: {  	_ =	shalt  }
0x69: {  	_ =	shalt  }
0x6a: {  	_ =	shalt  }
0x6b: {  	_ =	shalt  }
0x6c: {  	_ =	shalt  }
0x6d: {  	_ =	shalt  }
0x6e: {  	_ =	shalt  }
0x6f: {  	_ =	shalt  }
0x70: {  	_ =	shalt  }
0x71: {  	_ =	shalt  }
0x72: {  	_ =	shalt  }
0x73: {  	_ =	shalt  }
0x74: {  	_ =	shalt  }
0x75: {  	_ =	shalt  }
0x76: {  	_ =	shalt  }
0x77: {  	_ =	shalt  }
0x78: {  	_ =	shalt  }
0x79: {  	_ =	shalt  }
0x7a: {  	_ =	shalt  }
0x7b: {  	_ =	shalt  }
0x7c: {  	_ =	shalt  }
0x7d: {  	_ =	shalt  }
0x7e: {  	_ =	shalt  }
0x7f: {  	_ =	shalt  }
0x80: {  	_ =	shalt  }
0x81: {  	_ =	shalt  }
0x82: {  	_ =	shalt  }
0x83: {  	_ =	shalt  }
0x84: {  	_ =	shalt  }
0x85: {  	_ =	shalt  }
0x86: {  	_ =	shalt  }
0x87: {  	_ =	shalt  }
.Lfunc_end0:
.L_simem_size_0:
called_computation_lowered:
.L_overlay_start_0:
0x88: {  	s2 =	sld [smem:$0x3FD9]  }
0x89: {  	s3 =	sld [smem:$0x3FFE];
	_ =	sdelay $0x1  }
0x8a: {  	s1 =	srdreg.scid  }
0x8b: {  	s0 =	sand.u32 $0x1, s1  }
0x8c: {  	s17 =	sshll.u32 s0, $0xA;
	s2 =	sadd.s32 s3, s2  }
0x8d: {  	s2 =	sadd.s32 s2, s17  }
0x8e: {  	[smem:$0x3FC3] =	sst s2  }
0x8f: {  	_ = 	snop  }
0x90: {  	s2 =	sld [smem:$0x3FC9]  }
0x91: {  	s18 =	sld [smem:$0x3FC8]  }
0x92: {  	s4 =	sld [smem:$0x3FC7];
	(tm) =	ssettm $0x1  }
0x93: {  	s5 =	sld [smem:$0x3FFB];
	_ =	sdelay $0x3  }
0x94: {  	_ =	strace s5  }
0x95: {  	s5 =	sld [smem:$0x3FFC];
	_ =	sdelay $0x3  }
0x96: {  	_ =	strace s5  }
0x97: {  	s5 =	sld [smem:$0x3FFD];
	_ =	sdelay $0x3  }
0x98: {  	_ =	strace s5  }
0x99: {  	_ =	strace $0x8FFFFFFF  }
0x9a: {  	s19 =	sld [smem:$0x3FDB];
	_ =	sdelay $0x1  }
0x9b: {  	s6 =	simm.s32 $_scs_section_size  }
0x9c: {  	s7 =	simm.s32 $_size__tile_overlayer_lowered;
	s8 =	simm.s32 $_tile_overlayer_lowered  }
0x9d: {  	s22 =	simm.s32 $0x1BFF;
	s21 =	sshll.u32 s8, $0x1;
	s5 =	sadd.s32 s6, s19  }
0x9e: {  	s9 =	simm.s32 $0x0;
	s20 =	sshll.u32 s7, $0x1;
	s7 =	sadd.s32 s21, s5  }
0x9f: {  	[timem:s9], [sflag:s22] =	dma.local [hbm:s7], s20  }
0xa0: {  	_ =	swait.ge [sflag:s22], s20  }
0xa1: {  	s6 =	ssub.s32 $0x0, s20;
	[sflag:s22] =	ssyncset.done $0x0  }
0xa2: {  	[sflag:s22] =	ssyncadd.s32 s6;
	_ =	sdelay $0x1  }
0xa3: {  	s23 =	simm.s32 $0x1B8B  }
0xa4: {  	_ =	swait.ge [sflag:s23], $0x1  }
0xa5: {  	[sflag:s23] =	ssyncset.done $0x0  }
0xa6: {  	s25 =	simm.s32 $0x1B8E;
	s24 =	sld [smem:$0x3FFE];
	[sflag:s23] =	ssyncadd.s32 $0xFFFFFFFF  }
0xa7: {  	s26 =	simm.s32 $execute0_lowered;
	[smem:$0x3FD2] =	sst s25  }
0xa8: {  	s7 =	sshll.u32 s26, $0x1;
	_ =	strace $0x80000046;
	[dreg:$0x1] =	wrdreg $0xFFFFFFFF  }
0xa9: {  	s28 =	simm.s32 $_size_execute0_lowered;
	s5 =	sadd.s32 s5, s7;
	[dreg:$0x0] =	wrdreg $0x0  }
0xaa: {  	s7 =	sshll.u32 s28, $0x1;
	[dreg:$0x2] =	wrdreg s5  }
0xab: {  	[dreg:$0x3] =	wrdreg s7  }
0xac: {  	[dreg:$0x4] =	wrdreg $0xC0  }
0xad: {  	_ =	task [dreg:s9], $0x5FFFF  }
0xae: {  	[dreg:$0x1] =	wrdreg $0xFFFFFFFF  }
0xaf: {  	[dreg:$0x0] =	wrdreg $0x60  }
0xb0: {  	[dreg:$0x2] =	wrdreg s2  }
0xb1: {  	[dreg:$0x3] =	wrdreg s18  }
0xb2: {  	[dreg:$0x4] =	wrdreg s4  }
0xb3: {  	[dreg:$0x5] =	wrdreg s24  }
0xb4: {  	[dreg:$0x6] =	wrdreg $0x9  }
0xb5: {  	_ =	task.clear_ibuf [dreg:s9], $0x7FFFF;
	_ =	strace $0x90000046  }
0xb6: {  	s29 =	simm.s32 $0x9;
	_ =	strace $0x80000048  }
0xb7: {  	_ =	swait.ge [sflag:s29], $0x1  }
0xb8: {  	[sflag:s29] =	ssyncadd.s32 $0xFFFFFFFF  }
0xb9: {  	_ =	strace $0x90000048  }
0xba: {  	_ =	sfence  }
0xbb: {  	s30 =	sld [smem:$0x0];
	_ =	sdelay $0x2  }
0xbc: {  	s31 =	sshll.u32 s1, $0xD;
	s1 =	sshrl.u32 s1, $0x2  }
0xbd: {  	s3 =	sand.u32 $0x4000, s31;
	s1 =	sadd.s32 s1, s30  }
0xbe: {  	s0 =	sor.u32 s3, s0;
	s1 =	sshll.u32 s1, $0x11  }
0xbf: {  	s0 =	sor.u32 s1, s0  }
0xc0: {  	s0 =	sadd.s32 $0x8F2B, s0  }
0xc1: {  	[sflag:s0] =	ssyncadd.remote.s32 $0x1  }
0xc2: {  	_ =	sfence.sel $0xFFFF  }
0xc3: {  	[dreg:$0x0] =	wrdreg $0xFFFFFFFF;
	(pc) =	sbr.abs _section_cstart, $3  }
0xc4: {  	[dreg:$0x1] =	wrdreg $0xFFFFFFFF  }
0xc5: {  	_ =	task.clear_ibuf [dreg:s9], $0x2FFFF;
	_ =	strace $0x9FFFFFFF  }
0xc6: {  	(tm) =	ssettm $0x7FFFFFFF  }
0xc7: {  	_ =	shalt  }
tec
execute0_lowered:
.L_overlay_start_1:
0x0: {  	(tag) =	ssettag $0x1  }
0x1: {  	s0 =	rddreg [dreg:$0x0]  }
0x2: {  	s1 =	rddreg [dreg:$0x1]  }
0x3: {  	s3 =	rddreg [dreg:$0x2]  }
0x4: {  	s5 =	rddreg [dreg:$0x3];
	s4 =	srdreg.scid  }
0x5: {  	s2 =	simm.s32 $0x0;
	s6 =	stileid.u32;
	s4 =	sand.u32 $0x1, s4  }
0x6: {  	[smem:$0x7FF] =	sst s2;
	s6 =	sshll.u32 s6, $0x7;
	s7 =	sshll.u32 s4, $0x6  }
0x7: {  	s28 =	sadd.s32 $0x600, s5;
	_ =	strace $0x80000047;
	s6 =	sor.u32 s7, s6  }
0x8: {  	s25 =	ssub.s32 $0x2, s4;
	s4 =	sadd.s32 $0xF42A00, s5;
	s0 =	sadd.s32 s0, s6  }
0x9: {  	s8 =	sshrl.u32 s25, $0x1;
	s26 =	sadd.s32 s1, s6;
	[smem:$0x7F9] =	sst s0  }
0xa: {  	v0 =	vlaneseq.u32;
	s5 =	sadd.s32 s6, s5;
	s29 =	sadd.s32 s3, s6;
	[smem:$0x7FA] =	sst s26  }
0xb: {  	v0 =	vmul.u32 $0x80, v0;
	s7 =	ssub.s32 s25, s8;
	[smem:$0x7FB] =	sst s29;
	s30 =	sadd.s32 $0x1E84E00, s5  }
0xc: {  	s31 =	smax.u32 s7, $0x1;
	[smem:$0x7FC] =	sst s30  }
0xd: {  	[tilespmem:$0x1FFF0] =	vst v0;
	s1 =	simm.s32 $0x4;
	s3 =	simm.s32 $0x0;
	[smem:$0x7FD] =	sst s31  }
.LBB2_1:
0xe: {  	s0 =	sld [smem:$0x7F9];
	_ =	sdelay $0x1  }
0xf: {  	[smem:$0x7F8] =	sst s3  }
0x10: {  	[tilespmem:s2], [sflag:$0x4] =	stream.linear.gather [hbm4b:s0+s2], $0x200, $0x38;
	[tilespmem:$0xC800] =	vst v63  }
0x11: {  	_ =	swait.ge [sflag:s1], $0x200  }
0x12: {  	s30 =	sld [smem:$0x7FA]  }
0x13: {  	[sflag:s1] =	ssyncset.done $0x0  }
0x14: {  	s3 =	simm.s32 $0x200;
	[sflag:s1] =	ssyncadd.s32 $0xFFFFFE00  }
0x15: {  	[tilespmem:s3], [sflag:$0x4] =	stream.linear.gather [hbm4b:s30+s2], $0x200, $0x38;
	[tilespmem:$0xC800] =	vst v63  }
0x16: {  	_ =	swait.ge [sflag:s1], $0x200  }
0x17: {  	s31 =	sld [smem:$0x7FB]  }
0x18: {  	[sflag:s1] =	ssyncset.done $0x0  }
0x19: {  	s15 =	simm.s32 $0x400;
	[sflag:s1] =	ssyncadd.s32 $0xFFFFFE00  }
0x1a: {  	[tilespmem:s15], [sflag:$0x4] =	stream.linear.gather [hbm4b:s31+s2], $0x200, $0x38;
	[tilespmem:$0xC800] =	vst v63  }
0x1b: {  	_ =	swait.ge [sflag:s1], $0x200  }
0x1c: {  	s5 =	simm.s32 $0xC600;
	[sflag:s1] =	ssyncset.done $0x0  }
0x1d: {  	s0 =	simm.s32 $0x0;
	[sflag:s1] =	ssyncadd.s32 $0xFFFFFE00;
	s1 =	simm.s32 $0x0  }
.LBB2_2:
0x1e: {  	v1 =	vld [tilespmem:s0+$0x0]  }
0x1f: {  	v2 =	vld [tilespmem:s3+$0x0]  }
0x20: {  	v4 =	vld [tilespmem:s15+$0x0];
	_ =	sdelay $0x2  }
0x21: {  	v3 =	vshll.u32 v1, $0x4  }
0x22: {  	v2 =	vshll.u32 v2, $0x4;
	(v2sf) =	vpush v3, $0x0  }
0x23: {  	v1 =	vshll.u32 v4, $0x4;
	(v2sf) =	vpush v2, $0x0  }
0x24: {  	(v2sf) =	vpush v1, $0x0;
	_ =	sdelay $0x1  }
0x25: {  	(v2sf) =	vpush v3, $0x1;
	_ =	sdelay $0x2  }
0x26: {  	(v2sf) =	vpush v2, $0x1  }
0x27: {  	(v2sf) =	vpush v1, $0x1  }
0x28: {  	[smem:$0x7F3] =	sst s1  }
0x29: {  	[smem:$0x7F4] =	sst s5;
	s17 =	simm.s32 $0x2000;
	(v2sf) =	vpush v3, $0x2  }
0x2a: {  	s24 =	simm.s32 $0x0;
	[smem:$0x7F5] =	sst s3;
	s18 =	sadd.s32 $0x10, s3  }
0x2b: {  	[smem:$0x7F6] =	sst s0;
	s16 =	sadd.s32 $0x10, s0;
	s6 =	simm.s32 $0x8600  }
0x2c: {  	s3 =	simm.s32 $0x4780;
	s5 =	simm.s32 $0x980;
	s13 =	simm.s32 $0x600  }
0x2d: {  	s7 =	simm.s32 $0x4600;
	s0 =	simm.s32 $0xA00;
	s10 =	simm.s32 $0x8680  }
0x2e: {  	s11 =	simm.s32 $0x780;
	s1 =	simm.s32 $0xA80;
	s8 =	spop (v2sf)  }
0x2f: {  	s21 =	simm.s32 $0x680;
	(v2sf) =	vpush v2, $0x2;
	s8 =	sand.u32 $0x1FFFFFF0, s8;
	s9 =	spop (v2sf)  }
0x30: {  	s23 =	simm.s32 $0x4680;
	s8 =	sadd.s32 s28, s8;
	s19 =	spop (v2sf)  }
0x31: {  	(v2sf) =	vpush v1, $0x2;
	[tilespmem:s13], [sflag:$0x1] =	stream.linear.gather [hbm4b:s8+s2], $0x80, $0x38;
	[tilespmem:$0xC800] =	vst v63  }
0x32: {  	[smem:$0x7F7] =	sst s15;
	s14 =	sand.u32 $0x1FFFFFF0, s9;
	(v2sf) =	vpush v3, $0x3;
	s12 =	spop (v2sf)  }
0x33: {  	s9 =	sand.u32 $0x1FFFFFF0, s19;
	s8 =	sadd.s32 s4, s14;
	s20 =	sand.u32 $0x1FFFFFF0, s12  }
0x34: {  	[tilespmem:s7], [sflag:$0x2] =	stream.linear.gather [hbm4b:s8+s2], $0x80, $0x38;
	[tilespmem:$0xC800] =	vst v63  }
0x35: {  	(v2sf) =	vpush v2, $0x3;
	s9 =	sadd.s32 s4, s9;
	s22 =	spop (v2sf);
	s7 =	simm.s32 $0x8780  }
0x36: {  	s8 =	sadd.s32 s28, s20;
	s25 =	sand.u32 $0x1FFFFFF0, s22;
	s26 =	spop (v2sf)  }
0x37: {  	(v2sf) =	vpush v1, $0x3;
	[tilespmem:s6], [sflag:$0x3] =	stream.linear.gather [hbm4b:s9+s2], $0x80, $0x38;
	[tilespmem:$0xC800] =	vst v63  }
0x38: {  	s29 =	sand.u32 $0x1FFFFFF0, s26;
	s13 =	spop (v2sf);
	s26 =	simm.s32 $0x4800  }
0x39: {  	(v2sf) =	vpush v3, $0x4;
	[tilespmem:s21], [sflag:$0x1] =	stream.linear.gather [hbm4b:s8+s2], $0x80, $0x38;
	[tilespmem:$0xC800] =	vst v63  }
0x3a: {  	s9 =	simm.s32 $0x4880;
	s30 =	sadd.s32 s4, s29;
	s8 =	sadd.s32 s4, s25  }
0x3b: {  	(v2sf) =	vpush v2, $0x4;
	[tilespmem:s23], [sflag:$0x2] =	stream.linear.gather [hbm4b:s8+s2], $0x80, $0x38;
	[tilespmem:$0xC800] =	vst v63  }
0x3c: {  	s31 =	sand.u32 $0x1FFFFFF0, s13;
	s13 =	simm.s32 $0x4700;
	s6 =	simm.s32 $0x8A80  }
0x3d: {  	[tilespmem:s10], [sflag:$0x3] =	stream.linear.gather [hbm4b:s30+s2], $0x80, $0x38;
	[tilespmem:$0xC800] =	vst v63  }
0x3e: {  	s8 =	sadd.s32 s28, s31;
	s10 =	simm.s32 $0x700;
	s12 =	spop (v2sf)  }
0x3f: {  	(v2sf) =	vpush v1, $0x4;
	[tilespmem:s10], [sflag:$0x1] =	stream.linear.gather [hbm4b:s8+s2], $0x80, $0x38;
	[tilespmem:$0xC800] =	vst v63  }
0x40: {  	s21 =	simm.s32 $0x8700;
	s14 =	sand.u32 $0x1FFFFFF0, s12;
	s19 =	spop (v2sf)  }
0x41: {  	(v2sf) =	vpush v3, $0x5;
	s8 =	sadd.s32 s4, s14;
	s10 =	sand.u32 $0x1FFFFFF0, s19;
	s20 =	spop (v2sf)  }
0x42: {  	[tilespmem:s13], [sflag:$0x2] =	stream.linear.gather [hbm4b:s8+s2], $0x80, $0x38;
	[tilespmem:$0xC800] =	vst v63  }
0x43: {  	s31 =	simm.s32 $0x8800;
	s22 =	sadd.s32 s4, s10;
	s23 =	sand.u32 $0x1FFFFFF0, s20  }
0x44: {  	(v2sf) =	vpush v2, $0x5;
	s25 =	spop (v2sf);
	s13 =	simm.s32 $0x800;
	s10 =	sadd.s32 s28, s23  }
0x45: {  	(v2sf) =	vpush v1, $0x5;
	[tilespmem:s21], [sflag:$0x3] =	stream.linear.gather [hbm4b:s22+s2], $0x80, $0x38;
	[tilespmem:$0xC800] =	vst v63  }
0x46: {  	(v2sf) =	vpush v3, $0x6;
	s8 =	sand.u32 $0x1FFFFFF0, s25;
	s29 =	spop (v2sf);
	s23 =	simm.s32 $0x880  }
0x47: {  	[tilespmem:s11], [sflag:$0x1] =	stream.linear.gather [hbm4b:s10+s2], $0x80, $0x38;
	[tilespmem:$0xC800] =	vst v63  }
0x48: {  	s8 =	sadd.s32 s4, s8;
	s30 =	spop (v2sf);
	(v2sf) =	vpush v2, $0x6;
	s11 =	sand.u32 $0x1FFFFFF0, s29  }
0x49: {  	[tilespmem:s3], [sflag:$0x2] =	stream.linear.gather [hbm4b:s8+s2], $0x80, $0x38;
	[tilespmem:$0xC800] =	vst v63  }
0x4a: {  	s12 =	sand.u32 $0x1FFFFFF0, s30;
	s14 =	spop (v2sf);
	(v2sf) =	vpush v1, $0x6;
	s11 =	sadd.s32 s4, s11  }
0x4b: {  	[tilespmem:s7], [sflag:$0x3] =	stream.linear.gather [hbm4b:s11+s2], $0x80, $0x38;
	[tilespmem:$0xC800] =	vst v63  }
0x4c: {  	(v2sf) =	vpush v3, $0x7;
	s10 =	simm.s32 $0x4900;
	s8 =	sand.u32 $0x1FFFFFF0, s14;
	s11 =	sadd.s32 s28, s12  }
0x4d: {  	[tilespmem:s13], [sflag:$0x1] =	stream.linear.gather [hbm4b:s11+s2], $0x80, $0x38;
	[tilespmem:$0xC800] =	vst v63  }
0x4e: {  	s8 =	sadd.s32 s4, s8;
	s7 =	simm.s32 $0xB00;
	s19 =	spop (v2sf)  }
0x4f: {  	[tilespmem:s26], [sflag:$0x2] =	stream.linear.gather [hbm4b:s8+s2], $0x80, $0x38;
	[tilespmem:$0xC800] =	vst v63  }
0x50: {  	s13 =	simm.s32 $0x8880;
	s11 =	sand.u32 $0x1FFFFFF0, s19;
	s20 =	spop (v2sf)  }
0x51: {  	s8 =	simm.s32 $0x4B00;
	s21 =	sadd.s32 s4, s11;
	s22 =	sand.u32 $0x1FFFFFF0, s20  }
0x52: {  	(v2sf) =	vpush v2, $0x7;
	[tilespmem:s31], [sflag:$0x3] =	stream.linear.gather [hbm4b:s21+s2], $0x80, $0x38;
	[tilespmem:$0xC800] =	vst v63  }
0x53: {  	(v2sf) =	vpush v1, $0x7;
	s25 =	spop (v2sf);
	s20 =	simm.s32 $0x900;
	s26 =	sadd.s32 s28, s22  }
0x54: {  	s29 =	sand.u32 $0x1FFFFFF0, s25;
	s30 =	spop (v2sf);
	s25 =	simm.s32 $0x8900  }
0x55: {  	(v2sf) =	vpush v3, $0x8;
	s3 =	sadd.s32 s4, s29;
	s11 =	sand.u32 $0x1FFFFFF0, s30;
	s31 =	spop (v2sf)  }
0x56: {  	[tilespmem:s23], [sflag:$0x1] =	stream.linear.gather [hbm4b:s26+s2], $0x80, $0x38;
	[tilespmem:$0xC800] =	vst v63  }
0x57: {  	(v2sf) =	vpush v2, $0x8;
	s14 =	sadd.s32 s4, s11;
	s19 =	sand.u32 $0x1FFFFFF0, s31;
	s21 =	spop (v2sf)  }
0x58: {  	(v2sf) =	vpush v1, $0x8;
	[tilespmem:s9], [sflag:$0x2] =	stream.linear.gather [hbm4b:s3+s2], $0x80, $0x38;
	[tilespmem:$0xC800] =	vst v63  }
0x59: {  	s31 =	simm.s32 $0x4980;
	s11 =	sadd.s32 s28, s19;
	s22 =	spop (v2sf)  }
0x5a: {  	[tilespmem:s13], [sflag:$0x3] =	stream.linear.gather [hbm4b:s14+s2], $0x80, $0x38;
	[tilespmem:$0xC800] =	vst v63  }
0x5b: {  	s3 =	simm.s32 $0x4A80;
	s9 =	sand.u32 $0x1FFFFFF0, s21;
	s23 =	spop (v2sf)  }
0x5c: {  	(v2sf) =	vpush v3, $0x9;
	[tilespmem:s20], [sflag:$0x1] =	stream.linear.gather [hbm4b:s11+s2], $0x80, $0x38;
	[tilespmem:$0xC800] =	vst v63  }
0x5d: {  	s21 =	simm.s32 $0x8A00;
	s9 =	sadd.s32 s4, s9;
	s11 =	sand.u32 $0x1FFFFFF0, s22  }
0x5e: {  	(v2sf) =	vpush v2, $0x9;
	[tilespmem:s10], [sflag:$0x2] =	stream.linear.gather [hbm4b:s9+s2], $0x80, $0x38;
	[tilespmem:$0xC800] =	vst v63  }
0x5f: {  	s29 =	sand.u32 $0x1FFFFFF0, s23;
	s14 =	simm.s32 $0x8980;
	s26 =	sadd.s32 s4, s11  }
0x60: {  	[tilespmem:s25], [sflag:$0x3] =	stream.linear.gather [hbm4b:s26+s2], $0x80, $0x38;
	[tilespmem:$0xC800] =	vst v63  }
0x61: {  	s22 =	simm.s32 $0xC80;
	s11 =	sadd.s32 s28, s29;
	s30 =	spop (v2sf)  }
0x62: {  	s9 =	simm.s32 $0x4A00;
	(v2sf) =	vpush v1, $0x9;
	s10 =	sand.u32 $0x1FFFFFF0, s30;
	s12 =	spop (v2sf)  }
0x63: {  	(v2sf) =	vpush v3, $0xA;
	[tilespmem:s5], [sflag:$0x1] =	stream.linear.gather [hbm4b:s11+s2], $0x80, $0x38;
	[tilespmem:$0xC800] =	vst v63  }
0x64: {  	s10 =	sadd.s32 s4, s10;
	s11 =	sand.u32 $0x1FFFFFF0, s12;
	s13 =	spop (v2sf)  }
0x65: {  	(v2sf) =	vpush v2, $0xA;
	[tilespmem:s31], [sflag:$0x2] =	stream.linear.gather [hbm4b:s10+s2], $0x80, $0x38;
	[tilespmem:$0xC800] =	vst v63  }
0x66: {  	s12 =	simm.s32 $0x4D80;
	s20 =	sand.u32 $0x1FFFFFF0, s13;
	s23 =	spop (v2sf)  }
0x67: {  	s19 =	sadd.s32 s4, s11;
	(v2sf) =	vpush v1, $0xA;
	s11 =	sadd.s32 s28, s20;
	s26 =	spop (v2sf)  }
0x68: {  	(v2sf) =	vpush v3, $0xB;
	[tilespmem:s14], [sflag:$0x3] =	stream.linear.gather [hbm4b:s19+s2], $0x80, $0x38;
	[tilespmem:$0xC800] =	vst v63  }
0x69: {  	s20 =	sadd.s32 $0x10, s15;
	s25 =	sand.u32 $0x1FFFFFF0, s23;
	s10 =	sand.u32 $0x1FFFFFF0, s26  }
0x6a: {  	(v2sf) =	vpush v2, $0xB;
	[tilespmem:s0], [sflag:$0x1] =	stream.linear.gather [hbm4b:s11+s2], $0x80, $0x38;
	[tilespmem:$0xC800] =	vst v63  }
0x6b: {  	s29 =	spop (v2sf);
	(v2sf) =	vpush v1, $0xB;
	s30 =	sadd.s32 s4, s10;
	s0 =	sadd.s32 s4, s25  }
0x6c: {  	[tilespmem:s9], [sflag:$0x2] =	stream.linear.gather [hbm4b:s0+s2], $0x80, $0x38;
	[tilespmem:$0xC800] =	vst v63  }
0x6d: {  	s31 =	sand.u32 $0x1FFFFFF0, s29;
	s10 =	spop (v2sf);
	(v2sf) =	vpush v3, $0xC;
	s29 =	simm.s32 $0x8B00  }
0x6e: {  	[tilespmem:s21], [sflag:$0x3] =	stream.linear.gather [hbm4b:s30+s2], $0x80, $0x38;
	[tilespmem:$0xC800] =	vst v63  }
0x6f: {  	s11 =	sadd.s32 s28, s31;
	s0 =	sand.u32 $0x1FFFFFF0, s10;
	s10 =	simm.s32 $0x8D00  }
0x70: {  	[tilespmem:s1], [sflag:$0x1] =	stream.linear.gather [hbm4b:s11+s2], $0x80, $0x38;
	[tilespmem:$0xC800] =	vst v63  }
0x71: {  	s0 =	sadd.s32 s4, s0;
	s21 =	simm.s32 $0x8B80;
	s13 =	spop (v2sf)  }
0x72: {  	s30 =	simm.s32 $0xB80;
	s5 =	sand.u32 $0x1FFFFFF0, s13;
	s14 =	spop (v2sf)  }
0x73: {  	[tilespmem:s3], [sflag:$0x2] =	stream.linear.gather [hbm4b:s0+s2], $0x80, $0x38;
	[tilespmem:$0xC800] =	vst v63  }
0x74: {  	s1 =	simm.s32 $0x4C00;
	(v2sf) =	vpush v2, $0xC;
	s15 =	sadd.s32 s4, s5;
	s23 =	spop (v2sf)  }
0x75: {  	[tilespmem:s6], [sflag:$0x3] =	stream.linear.gather [hbm4b:s15+s2], $0x80, $0x38;
	[tilespmem:$0xC800] =	vst v63  }
0x76: {  	(v2sf) =	vpush v1, $0xC;
	s19 =	sand.u32 $0x1FFFFFF0, s14;
	s5 =	sand.u32 $0x1FFFFFF0, s23;
	s25 =	spop (v2sf)  }
0x77: {  	s3 =	sadd.s32 s28, s19;
	s5 =	sadd.s32 s4, s5;
	s26 =	spop (v2sf)  }
0x78: {  	(v2sf) =	vpush v3, $0xD;
	[tilespmem:s7], [sflag:$0x1] =	stream.linear.gather [hbm4b:s3+s2], $0x80, $0x38;
	[tilespmem:$0xC800] =	vst v63  }
0x79: {  	s6 =	sand.u32 $0x1FFFFFF0, s25;
	s3 =	simm.s32 $0xC00;
	s31 =	spop (v2sf)  }
0x7a: {  	(v2sf) =	vpush v2, $0xD;
	s6 =	sadd.s32 s4, s6;
	s7 =	sand.u32 $0x1FFFFFF0, s26;
	s9 =	spop (v2sf)  }
0x7b: {  	[tilespmem:s8], [sflag:$0x2] =	stream.linear.gather [hbm4b:s5+s2], $0x80, $0x38;
	[tilespmem:$0xC800] =	vst v63  }
0x7c: {  	s7 =	sadd.s32 s28, s7;
	s8 =	simm.s32 $0x4B80;
	s11 =	spop (v2sf)  }
0x7d: {  	s5 =	simm.s32 $0x4D00;
	s14 =	sand.u32 $0x1FFFFFF0, s11;
	s11 =	simm.s32 $0xD00  }
0x7e: {  	[tilespmem:s29], [sflag:$0x3] =	stream.linear.gather [hbm4b:s6+s2], $0x80, $0x38;
	[tilespmem:$0xC800] =	vst v63  }
0x7f: {  	s6 =	sand.u32 $0x1FFFFFF0, s31;
	s19 =	sadd.s32 s28, s14;
	s29 =	simm.s32 $0x8C00  }
0x80: {  	[tilespmem:s30], [sflag:$0x1] =	stream.linear.gather [hbm4b:s7+s2], $0x80, $0x38;
	[tilespmem:$0xC800] =	vst v63  }
0x81: {  	s6 =	sadd.s32 s4, s6;
	s7 =	sand.u32 $0x1FFFFFF0, s9;
	s9 =	simm.s32 $0xD80  }
0x82: {  	[tilespmem:s8], [sflag:$0x2] =	stream.linear.gather [hbm4b:s6+s2], $0x80, $0x38;
	[tilespmem:$0xC800] =	vst v63  }
0x83: {  	s13 =	sadd.s32 s4, s7;
	s7 =	simm.s32 $0x4C80;
	s15 =	spop (v2sf)  }
0x84: {  	(v2sf) =	vpush v1, $0xD;
	[tilespmem:s21], [sflag:$0x3] =	stream.linear.gather [hbm4b:s13+s2], $0x80, $0x38;
	[tilespmem:$0xC800] =	vst v63  }
0x85: {  	s6 =	simm.s32 $0x8C80;
	(v2sf) =	vpush v3, $0xE;
	s21 =	sand.u32 $0x1FFFFFF0, s15;
	s23 =	spop (v2sf)  }
0x86: {  	(v2sf) =	vpush v2, $0xE;
	[tilespmem:s3], [sflag:$0x1] =	stream.linear.gather [hbm4b:s19+s2], $0x80, $0x38;
	[tilespmem:$0xC800] =	vst v63  }
0x87: {  	s25 =	sadd.s32 s4, s21;
	s26 =	sand.u32 $0x1FFFFFF0, s23;
	(v2sf) =	vpush v1, $0xE;
	s31 =	spop (v2sf)  }
0x88: {  	(v2sf) =	vpush v3, $0xF;
	[tilespmem:s1], [sflag:$0x2] =	stream.linear.gather [hbm4b:s25+s2], $0x80, $0x38;
	[tilespmem:$0xC800] =	vst v63  }
0x89: {  	s30 =	sadd.s32 s4, s26;
	(v2sf) =	vpush v2, $0xF;
	s0 =	sand.u32 $0x1FFFFFF0, s31;
	s1 =	spop (v2sf)  }
0x8a: {  	(v2sf) =	vpush v1, $0xF;
	[tilespmem:s29], [sflag:$0x3] =	stream.linear.gather [hbm4b:s30+s2], $0x80, $0x38;
	[tilespmem:$0xC800] =	vst v63  }
.LBB2_3:
0x8b: {  	_ =	sdelay $0x3  }
0x8c: {  	s0 =	sadd.s32 s28, s0;
	s1 =	sand.u32 $0x1FFFFFF0, s1  }
0x8d: {  	[tilespmem:s22], [sflag:$0x1] =	stream.linear.gather [hbm4b:s0+s2], $0x80, $0x38;
	[tilespmem:$0xC800] =	vst v63  }
0x8e: {  	s13 =	sadd.s32 s4, s1  }
0x8f: {  	[tilespmem:s7], [sflag:$0x2] =	stream.linear.gather [hbm4b:s13+s2], $0x80, $0x38;
	[tilespmem:$0xC800] =	vst v63  }
0x90: {  	s3 =	spop (v2sf)  }
0x91: {  	s8 =	smov.u32 s17;
	s13 =	sadd.s32 $0x8D80, s24;
	s14 =	sand.u32 $0x1FFFFFF0, s3  }
0x92: {  	s24 =	sshra.s32 s8, $0x2;
	s15 =	spop (v2sf);
	s19 =	sadd.s32 s4, s14  }
0x93: {  	s21 =	sand.u32 $0x1FFFFFF0, s15;
	s22 =	spop (v2sf);
	s15 =	sadd.s32 $0x4780, s24  }
0x94: {  	[tilespmem:s6], [sflag:$0x3] =	stream.linear.gather [hbm4b:s19+s2], $0x80, $0x38;
	[tilespmem:$0xC800] =	vst v63  }
0x95: {  	s23 =	sadd.s32 s28, s21;
	s25 =	sand.u32 $0x1FFFFFF0, s22;
	s26 =	spop (v2sf)  }
0x96: {  	[dreg:$0x1e] =	wrdreg s15;
	s19 =	sadd.s32 $0x980, s24;
	s21 =	sadd.s32 $0xA00, s24  }
0x97: {  	[tilespmem:s11], [sflag:$0x1] =	stream.linear.gather [hbm4b:s23+s2], $0x80, $0x38;
	[tilespmem:$0xC800] =	vst v63  }
0x98: {  	s29 =	sadd.s32 s4, s25;
	s30 =	sand.u32 $0x1FFFFFF0, s26;
	s31 =	spop (v2sf)  }
0x99: {  	[tilespmem:s5], [sflag:$0x2] =	stream.linear.gather [hbm4b:s29+s2], $0x80, $0x38;
	[tilespmem:$0xC800] =	vst v63  }
0x9a: {  	s1 =	sadd.s32 s4, s30;
	s3 =	sand.u32 $0x1FFFFFF0, s31;
	s5 =	spop (v2sf)  }
0x9b: {  	[tilespmem:s10], [sflag:$0x3] =	stream.linear.gather [hbm4b:s1+s2], $0x80, $0x38;
	[tilespmem:$0xC800] =	vst v63  }
0x9c: {  	s6 =	sadd.s32 s28, s3;
	s7 =	sand.u32 $0x1FFFFFF0, s5;
	s10 =	spop (v2sf)  }
0x9d: {  	[tilespmem:s9], [sflag:$0x1] =	stream.linear.gather [hbm4b:s6+s2], $0x80, $0x38;
	[tilespmem:$0xC800] =	vst v63  }
0x9e: {  	[dreg:$0x12] =	wrdreg s19;
	s11 =	sadd.s32 s4, s7;
	s3 =	sand.u32 $0x1FFFFFF0, s10  }
0x9f: {  	[tilespmem:s12], [sflag:$0x2] =	stream.linear.gather [hbm4b:s11+s2], $0x80, $0x38;
	[tilespmem:$0xC800] =	vst v63  }
0xa0: {  	s22 =	sadd.s32 $0xA80, s24;
	[dreg:$0x10] =	wrdreg s21;
	s14 =	sadd.s32 s4, s3  }
0xa1: {  	[tilespmem:s13], [sflag:$0x3] =	stream.linear.gather [hbm4b:s14+s2], $0x80, $0x38;
	[tilespmem:$0xC800] =	vst v63  }
0xa2: {  	s15 =	sadd.s32 $0x8980, s24;
	[dreg:$0xc] =	wrdreg s22;
	v1 =	vld [tilespmem:s16+$0x0]  }
0xa3: {  	s25 =	sadd.s32 $0x8A80, s24;
	[dreg:$0x15] =	wrdreg s15;
	v2 =	vld [tilespmem:s18+$0x0]  }
0xa4: {  	p0 =	sne.s32 s17, $0xE000;
	s26 =	sadd.s32 $0x4800, s24;
	[dreg:$0xa] =	wrdreg s25;
	v4 =	vld [tilespmem:s20+$0x0]  }
0xa5: {  	s17 =	sadd.s32 $0x2000, s17;
	s21 =	sadd.s32 $0x8880, s24;
	[dreg:$0x1d] =	wrdreg s26  }
0xa6: {  	s8 =	sadd.s32 $0x780, s24;
	s22 =	sadd.s32 $0x8900, s24;
	[dreg:$0x1b] =	wrdreg s21  }
0xa7: {  	s0 =	sadd.s32 $0x4700, s24;
	s23 =	sadd.s32 $0x4880, s24;
	[dreg:$0x18] =	wrdreg s22;
	v3 =	vshll.u32 v1, $0x4  }
0xa8: {  	s19 =	sadd.s32 $0x8780, s24;
	s31 =	sadd.s32 $0x8800, s24;
	[dreg:$0x19] =	wrdreg s23;
	v2 =	vshll.u32 v2, $0x4;
	(v2sf) =	vpush v3, $0x0  }
0xa9: {  	s30 =	sadd.s32 $0x8680, s24;
	s26 =	sadd.s32 $0xD80, s24;
	[dreg:$0x1a] =	wrdreg s31;
	v1 =	vshll.u32 v4, $0x4;
	(v2sf) =	vpush v2, $0x0  }
0xaa: {  	s22 =	sadd.s32 $0xC80, s24;
	s23 =	sadd.s32 $0x4C00, s24;
	[dreg:$0x1c] =	wrdreg s26;
	(v2sf) =	vpush v1, $0x0  }
0xab: {  	s25 =	sadd.s32 $0x8700, s24;
	[dreg:$0x5] =	wrdreg s23;
	s5 =	sadd.s32 $0x4900, s24  }
0xac: {  	s31 =	sadd.s32 $0x800, s24;
	s1 =	sadd.s32 $0xB00, s24;
	[dreg:$0x17] =	wrdreg s5;
	(v2sf) =	vpush v3, $0x1  }
0xad: {  	s29 =	sadd.s32 $0x8600, s24;
	[dreg:$0x9] =	wrdreg s1;
	s10 =	sadd.s32 $0x4A00, s24  }
0xae: {  	s23 =	sadd.s32 $0x4680, s24;
	s6 =	sadd.s32 $0x4B00, s24;
	[dreg:$0x13] =	wrdreg s10  }
0xaf: {  	s7 =	sadd.s32 $0x600, s24;
	s9 =	sadd.s32 $0x4A80, s24;
	[dreg:$0x7] =	wrdreg s6  }
0xb0: {  	s5 =	sadd.s32 $0x4D00, s24;
	[dreg:$0xf] =	wrdreg s9;
	s6 =	sadd.s32 $0x8B80, s24;
	(v2sf) =	vpush v2, $0x1  }
0xb1: {  	s1 =	sadd.s32 $0x700, s24;
	s9 =	sadd.s32 $0xC00, s24;
	[dreg:$0x8] =	wrdreg s6  }
0xb2: {  	s3 =	sadd.s32 $0x4600, s24;
	s11 =	sadd.s32 $0x8A00, s24;
	[dreg:$0x6] =	wrdreg s9;
	(v2sf) =	vpush v1, $0x1  }
0xb3: {  	s10 =	sadd.s32 $0x8D00, s24;
	s12 =	sadd.s32 $0x880, s24;
	[dreg:$0x11] =	wrdreg s11  }
0xb4: {  	s9 =	sadd.s32 $0x900, s24;
	s6 =	sadd.s32 $0x8C80, s24;
	[dreg:$0x1f] =	wrdreg s12;
	(v2sf) =	vpush v3, $0x2  }
0xb5: {  	s12 =	sadd.s32 $0x4D80, s24;
	s11 =	sadd.s32 $0xB80, s24;
	s13 =	sadd.s32 $0x680, s24  }
0xb6: {  	s14 =	sadd.s32 $0x4980, s24;
	[dreg:$0xe] =	wrdreg s11;
	s11 =	sadd.s32 $0xD00, s24;
	(v2sf) =	vpush v2, $0x2  }
0xb7: {  	[dreg:$0x16] =	wrdreg s14;
	s14 =	sadd.s32 $0x4B80, s24;
	s15 =	spop (v2sf)  }
0xb8: {  	[dreg:$0xb] =	wrdreg s14;
	(v2sf) =	vpush v1, $0x2;
	s26 =	sand.u32 $0x1FFFFFF0, s15;
	s14 =	spop (v2sf)  }
0xb9: {  	s18 =	sadd.s32 $0x10, s18;
	s26 =	sadd.s32 s28, s26;
	s15 =	spop (v2sf)  }
0xba: {  	(v2sf) =	vpush v3, $0x3;
	[tilespmem:s7], [sflag:$0x1] =	stream.linear.gather [hbm4b:s26+s2], $0x80, $0x38;
	[tilespmem:$0xC800] =	vst v63  }
0xbb: {  	s14 =	sand.u32 $0x1FFFFFF0, s14;
	s15 =	sand.u32 $0x1FFFFFF0, s15;
	s21 =	spop (v2sf)  }
0xbc: {  	(v2sf) =	vpush v2, $0x3;
	s14 =	sadd.s32 s4, s14;
	s26 =	sand.u32 $0x1FFFFFF0, s21;
	s21 =	sadd.s32 $0x8B00, s24  }
0xbd: {  	[tilespmem:s3], [sflag:$0x2] =	stream.linear.gather [hbm4b:s14+s2], $0x80, $0x38;
	[tilespmem:$0xC800] =	vst v63  }
0xbe: {  	s16 =	sadd.s32 $0x10, s16;
	(v2sf) =	vpush v1, $0x3;
	[dreg:$0x14] =	wrdreg s21;
	s3 =	sadd.s32 s4, s15  }
0xbf: {  	s15 =	sadd.s32 $0x8C00, s24;
	s21 =	spop (v2sf);
	(v2sf) =	vpush v3, $0x4;
	s26 =	sadd.s32 s28, s26  }
0xc0: {  	[tilespmem:s29], [sflag:$0x3] =	stream.linear.gather [hbm4b:s3+s2], $0x80, $0x38;
	[tilespmem:$0xC800] =	vst v63  }
0xc1: {  	[dreg:$0xd] =	wrdreg s15;
	s14 =	sand.u32 $0x1FFFFFF0, s21;
	s29 =	spop (v2sf)  }
0xc2: {  	(v2sf) =	vpush v2, $0x4;
	[tilespmem:s13], [sflag:$0x1] =	stream.linear.gather [hbm4b:s26+s2], $0x80, $0x38;
	[tilespmem:$0xC800] =	vst v63  }
0xc3: {  	s14 =	sadd.s32 s4, s14;
	s15 =	sand.u32 $0x1FFFFFF0, s29;
	s21 =	spop (v2sf)  }
0xc4: {  	(v2sf) =	vpush v1, $0x4;
	[tilespmem:s23], [sflag:$0x2] =	stream.linear.gather [hbm4b:s14+s2], $0x80, $0x38;
	[tilespmem:$0xC800] =	vst v63  }
0xc5: {  	s26 =	sand.u32 $0x1FFFFFF0, s21;
	s29 =	spop (v2sf);
	s23 =	sadd.s32 s4, s15  }
0xc6: {  	(v2sf) =	vpush v3, $0x5;
	[tilespmem:s30], [sflag:$0x3] =	stream.linear.gather [hbm4b:s23+s2], $0x80, $0x38;
	[tilespmem:$0xC800] =	vst v63  }
0xc7: {  	s21 =	sand.u32 $0x1FFFFFF0, s29;
	s15 =	sadd.s32 s28, s26;
	s23 =	spop (v2sf)  }
0xc8: {  	[tilespmem:s1], [sflag:$0x1] =	stream.linear.gather [hbm4b:s15+s2], $0x80, $0x38;
	[tilespmem:$0xC800] =	vst v63  }
0xc9: {  	s26 =	sadd.s32 s4, s21;
	s29 =	sand.u32 $0x1FFFFFF0, s23;
	s30 =	spop (v2sf)  }
0xca: {  	(v2sf) =	vpush v2, $0x5;
	[tilespmem:s0], [sflag:$0x2] =	stream.linear.gather [hbm4b:s26+s2], $0x80, $0x38;
	[tilespmem:$0xC800] =	vst v63  }
0xcb: {  	s20 =	sadd.s32 $0x10, s20;
	s3 =	sadd.s32 s4, s29;
	s14 =	spop (v2sf)  }
0xcc: {  	(v2sf) =	vpush v1, $0x5;
	[tilespmem:s25], [sflag:$0x3] =	stream.linear.gather [hbm4b:s3+s2], $0x80, $0x38;
	[tilespmem:$0xC800] =	vst v63  }
0xcd: {  	s13 =	sand.u32 $0x1FFFFFF0, s30;
	s30 =	rddreg [dreg:$0x1e];
	s23 =	spop (v2sf)  }
0xce: {  	(v2sf) =	vpush v3, $0x6;
	s15 =	sadd.s32 s28, s13;
	s21 =	sand.u32 $0x1FFFFFF0, s14;
	s29 =	spop (v2sf)  }
0xcf: {  	(v2sf) =	vpush v2, $0x6;
	[tilespmem:s8], [sflag:$0x1] =	stream.linear.gather [hbm4b:s15+s2], $0x80, $0x38;
	[tilespmem:$0xC800] =	vst v63  }
0xd0: {  	s25 =	sadd.s32 s4, s21;
	s26 =	sand.u32 $0x1FFFFFF0, s23;
	s3 =	sand.u32 $0x1FFFFFF0, s29  }
0xd1: {  	s1 =	sadd.s32 s4, s26;
	s8 =	spop (v2sf);
	s13 =	sadd.s32 s28, s3  }
0xd2: {  	(v2sf) =	vpush v1, $0x6;
	[tilespmem:s30], [sflag:$0x2] =	stream.linear.gather [hbm4b:s25+s2], $0x80, $0x38;
	[tilespmem:$0xC800] =	vst v63  }
0xd3: {  	s14 =	sand.u32 $0x1FFFFFF0, s8;
	s15 =	spop (v2sf);
	s25 =	rddreg [dreg:$0x1d]  }
0xd4: {  	(v2sf) =	vpush v3, $0x7;
	[tilespmem:s19], [sflag:$0x3] =	stream.linear.gather [hbm4b:s1+s2], $0x80, $0x38;
	[tilespmem:$0xC800] =	vst v63  }
0xd5: {  	s21 =	sand.u32 $0x1FFFFFF0, s15;
	s23 =	spop (v2sf);
	s15 =	rddreg [dreg:$0x1f]  }
0xd6: {  	(v2sf) =	vpush v2, $0x7;
	[tilespmem:s31], [sflag:$0x1] =	stream.linear.gather [hbm4b:s13+s2], $0x80, $0x38;
	[tilespmem:$0xC800] =	vst v63  }
0xd7: {  	s19 =	sadd.s32 s4, s14;
	s26 =	sadd.s32 s4, s21;
	s29 =	sand.u32 $0x1FFFFFF0, s23  }
0xd8: {  	(v2sf) =	vpush v1, $0x7;
	[tilespmem:s25], [sflag:$0x2] =	stream.linear.gather [hbm4b:s19+s2], $0x80, $0x38;
	[tilespmem:$0xC800] =	vst v63  }
0xd9: {  	s8 =	sadd.s32 s28, s29;
	s31 =	rddreg [dreg:$0x1a];
	s30 =	spop (v2sf)  }
0xda: {  	[tilespmem:s31], [sflag:$0x3] =	stream.linear.gather [hbm4b:s26+s2], $0x80, $0x38;
	[tilespmem:$0xC800] =	vst v63  }
0xdb: {  	s25 =	rddreg [dreg:$0x19];
	s13 =	sand.u32 $0x1FFFFFF0, s30;
	s14 =	spop (v2sf)  }
0xdc: {  	(v2sf) =	vpush v3, $0x8;
	[tilespmem:s15], [sflag:$0x1] =	stream.linear.gather [hbm4b:s8+s2], $0x80, $0x38;
	[tilespmem:$0xC800] =	vst v63  }
0xdd: {  	s31 =	rddreg [dreg:$0x1b];
	s19 =	sadd.s32 s4, s13;
	s23 =	spop (v2sf)  }
0xde: {  	s21 =	sand.u32 $0x1FFFFFF0, s14;
	s29 =	sand.u32 $0x1FFFFFF0, s23;
	s30 =	spop (v2sf)  }
0xdf: {  	(v2sf) =	vpush v2, $0x8;
	[tilespmem:s25], [sflag:$0x2] =	stream.linear.gather [hbm4b:s19+s2], $0x80, $0x38;
	[tilespmem:$0xC800] =	vst v63  }
0xe0: {  	(v2sf) =	vpush v1, $0x8;
	s26 =	sadd.s32 s4, s21;
	s13 =	sadd.s32 s28, s29;
	s14 =	sand.u32 $0x1FFFFFF0, s30  }
0xe1: {  	s15 =	spop (v2sf);
	s25 =	rddreg [dreg:$0x17];
	s19 =	sadd.s32 s4, s14  }
0xe2: {  	(v2sf) =	vpush v3, $0x9;
	[tilespmem:s31], [sflag:$0x3] =	stream.linear.gather [hbm4b:s26+s2], $0x80, $0x38;
	[tilespmem:$0xC800] =	vst v63  }
0xe3: {  	(v2sf) =	vpush v2, $0x9;
	s21 =	sand.u32 $0x1FFFFFF0, s15;
	s15 =	rddreg [dreg:$0x12];
	s23 =	spop (v2sf)  }
0xe4: {  	[tilespmem:s9], [sflag:$0x1] =	stream.linear.gather [hbm4b:s13+s2], $0x80, $0x38;
	[tilespmem:$0xC800] =	vst v63  }
0xe5: {  	s26 =	sadd.s32 s4, s21;
	s31 =	rddreg [dreg:$0x18];
	s30 =	spop (v2sf)  }
0xe6: {  	[tilespmem:s25], [sflag:$0x2] =	stream.linear.gather [hbm4b:s19+s2], $0x80, $0x38;
	[tilespmem:$0xC800] =	vst v63  }
0xe7: {  	(v2sf) =	vpush v1, $0x9;
	s29 =	sand.u32 $0x1FFFFFF0, s23;
	s9 =	rddreg [dreg:$0x1c];
	s14 =	spop (v2sf)  }
0xe8: {  	(v2sf) =	vpush v3, $0xA;
	[tilespmem:s31], [sflag:$0x3] =	stream.linear.gather [hbm4b:s26+s2], $0x80, $0x38;
	[tilespmem:$0xC800] =	vst v63  }
0xe9: {  	s8 =	sadd.s32 s28, s29;
	s13 =	sand.u32 $0x1FFFFFF0, s30;
	s21 =	sand.u32 $0x1FFFFFF0, s14  }
0xea: {  	(v2sf) =	vpush v2, $0xA;
	[tilespmem:s15], [sflag:$0x1] =	stream.linear.gather [hbm4b:s8+s2], $0x80, $0x38;
	[tilespmem:$0xC800] =	vst v63  }
0xeb: {  	s19 =	sadd.s32 s4, s13;
	s25 =	rddreg [dreg:$0x16];
	s23 =	spop (v2sf)  }
0xec: {  	s26 =	sadd.s32 s4, s21;
	s31 =	rddreg [dreg:$0x15];
	s29 =	sand.u32 $0x1FFFFFF0, s23  }
0xed: {  	[tilespmem:s25], [sflag:$0x2] =	stream.linear.gather [hbm4b:s19+s2], $0x80, $0x38;
	[tilespmem:$0xC800] =	vst v63  }
0xee: {  	(v2sf) =	vpush v1, $0xA;
	s15 =	rddreg [dreg:$0x10];
	s30 =	spop (v2sf);
	s8 =	sadd.s32 s28, s29  }
0xef: {  	s25 =	rddreg [dreg:$0x13];
	s13 =	sand.u32 $0x1FFFFFF0, s30;
	s14 =	spop (v2sf)  }
0xf0: {  	(v2sf) =	vpush v3, $0xB;
	[tilespmem:s31], [sflag:$0x3] =	stream.linear.gather [hbm4b:s26+s2], $0x80, $0x38;
	[tilespmem:$0xC800] =	vst v63  }
0xf1: {  	s19 =	sadd.s32 s4, s13;
	s21 =	sand.u32 $0x1FFFFFF0, s14;
	s23 =	spop (v2sf)  }
0xf2: {  	(v2sf) =	vpush v2, $0xB;
	s31 =	rddreg [dreg:$0x11];
	s29 =	sand.u32 $0x1FFFFFF0, s23;
	s30 =	spop (v2sf)  }
0xf3: {  	(v2sf) =	vpush v1, $0xB;
	[tilespmem:s15], [sflag:$0x1] =	stream.linear.gather [hbm4b:s8+s2], $0x80, $0x38;
	[tilespmem:$0xC800] =	vst v63  }
0xf4: {  	s26 =	sadd.s32 s4, s21;
	s8 =	sadd.s32 s28, s29;
	s13 =	sand.u32 $0x1FFFFFF0, s30  }
0xf5: {  	(v2sf) =	vpush v3, $0xC;
	[tilespmem:s25], [sflag:$0x2] =	stream.linear.gather [hbm4b:s19+s2], $0x80, $0x38;
	[tilespmem:$0xC800] =	vst v63  }
0xf6: {  	s15 =	rddreg [dreg:$0xc];
	s14 =	spop (v2sf);
	s19 =	sadd.s32 s4, s13  }
0xf7: {  	(v2sf) =	vpush v2, $0xC;
	s21 =	sand.u32 $0x1FFFFFF0, s14;
	s23 =	spop (v2sf);
	s25 =	rddreg [dreg:$0xf]  }
0xf8: {  	[tilespmem:s31], [sflag:$0x3] =	stream.linear.gather [hbm4b:s26+s2], $0x80, $0x38;
	[tilespmem:$0xC800] =	vst v63  }
0xf9: {  	s29 =	sand.u32 $0x1FFFFFF0, s23;
	s30 =	spop (v2sf);
	s26 =	sadd.s32 s4, s21  }
0xfa: {  	[tilespmem:s15], [sflag:$0x1] =	stream.linear.gather [hbm4b:s8+s2], $0x80, $0x38;
	[tilespmem:$0xC800] =	vst v63  }
0xfb: {  	s31 =	rddreg [dreg:$0xa];
	s13 =	sand.u32 $0x1FFFFFF0, s30;
	s8 =	sadd.s32 s28, s29  }
0xfc: {  	[tilespmem:s25], [sflag:$0x2] =	stream.linear.gather [hbm4b:s19+s2], $0x80, $0x38;
	[tilespmem:$0xC800] =	vst v63  }
0xfd: {  	s15 =	rddreg [dreg:$0x9];
	s19 =	sadd.s32 s4, s13;
	s14 =	spop (v2sf)  }
0xfe: {  	[tilespmem:s31], [sflag:$0x3] =	stream.linear.gather [hbm4b:s26+s2], $0x80, $0x38;
	[tilespmem:$0xC800] =	vst v63  }
0xff: {  	(v2sf) =	vpush v1, $0xC;
	s25 =	rddreg [dreg:$0x7];
	s21 =	sand.u32 $0x1FFFFFF0, s14;
	s23 =	spop (v2sf)  }
0x100: {  	(v2sf) =	vpush v3, $0xD;
	[tilespmem:s15], [sflag:$0x1] =	stream.linear.gather [hbm4b:s8+s2], $0x80, $0x38;
	[tilespmem:$0xC800] =	vst v63  }
0x101: {  	s31 =	rddreg [dreg:$0x14];
	s29 =	sand.u32 $0x1FFFFFF0, s23;
	s30 =	spop (v2sf)  }
0x102: {  	(v2sf) =	vpush v2, $0xD;
	s26 =	sadd.s32 s4, s21;
	s13 =	sadd.s32 s28, s29;
	s15 =	spop (v2sf)  }
0x103: {  	[tilespmem:s25], [sflag:$0x2] =	stream.linear.gather [hbm4b:s19+s2], $0x80, $0x38;
	[tilespmem:$0xC800] =	vst v63  }
0x104: {  	s14 =	sand.u32 $0x1FFFFFF0, s30;
	s19 =	rddreg [dreg:$0xe];
	s25 =	spop (v2sf)  }
0x105: {  	[tilespmem:s31], [sflag:$0x3] =	stream.linear.gather [hbm4b:s26+s2], $0x80, $0x38;
	[tilespmem:$0xC800] =	vst v63  }
0x106: {  	s21 =	sadd.s32 s4, s14;
	s26 =	rddreg [dreg:$0xb];
	s31 =	spop (v2sf)  }
0x107: {  	[tilespmem:s19], [sflag:$0x1] =	stream.linear.gather [hbm4b:s13+s2], $0x80, $0x38;
	[tilespmem:$0xC800] =	vst v63  }
0x108: {  	s23 =	sand.u32 $0x1FFFFFF0, s15;
	s15 =	sand.u32 $0x1FFFFFF0, s31;
	s31 =	rddreg [dreg:$0xd]  }
0x109: {  	[tilespmem:s26], [sflag:$0x2] =	stream.linear.gather [hbm4b:s21+s2], $0x80, $0x38;
	[tilespmem:$0xC800] =	vst v63  }
0x10a: {  	s29 =	sadd.s32 s4, s23;
	s30 =	sand.u32 $0x1FFFFFF0, s25;
	s13 =	rddreg [dreg:$0x8]  }
0x10b: {  	[tilespmem:s13], [sflag:$0x3] =	stream.linear.gather [hbm4b:s29+s2], $0x80, $0x38;
	[tilespmem:$0xC800] =	vst v63  }
0x10c: {  	s7 =	sadd.s32 $0x4C80, s24;
	(v2sf) =	vpush v1, $0xD;
	s14 =	sadd.s32 s28, s30;
	s21 =	rddreg [dreg:$0x6]  }
0x10d: {  	(v2sf) =	vpush v3, $0xE;
	[tilespmem:s21], [sflag:$0x1] =	stream.linear.gather [hbm4b:s14+s2], $0x80, $0x38;
	[tilespmem:$0xC800] =	vst v63  }
.Ltmp0:
0x10e: {  	(v2sf) =	vpush v2, $0xE;
	s19 =	spop (v2sf);
	s23 =	sadd.s32 s4, s15;
	(pc) =	sbr.rel @p0 .LBB2_3-.Ltmp0, $4  }
0x10f: {  	(v2sf) =	vpush v1, $0xE;
	s25 =	sand.u32 $0x1FFFFFF0, s19;
	s26 =	spop (v2sf);
	s29 =	rddreg [dreg:$0x5]  }
0x110: {  	(v2sf) =	vpush v3, $0xF;
	[tilespmem:s29], [sflag:$0x2] =	stream.linear.gather [hbm4b:s23+s2], $0x80, $0x38;
	[tilespmem:$0xC800] =	vst v63  }
0x111: {  	(v2sf) =	vpush v2, $0xF;
	s30 =	sadd.s32 s4, s25;
	s0 =	sand.u32 $0x1FFFFFF0, s26;
	s1 =	spop (v2sf)  }
0x112: {  	(v2sf) =	vpush v1, $0xF;
	[tilespmem:s31], [sflag:$0x3] =	stream.linear.gather [hbm4b:s30+s2], $0x80, $0x38;
	[tilespmem:$0xC800] =	vst v63  }
0x113: {  	_ =	sdelay $0x3  }
0x114: {  	s0 =	sadd.s32 s28, s0;
	s1 =	sand.u32 $0x1FFFFFF0, s1  }
0x115: {  	[tilespmem:s22], [sflag:$0x1] =	stream.linear.gather [hbm4b:s0+s2], $0x80, $0x38;
	[tilespmem:$0xC800] =	vst v63  }
0x116: {  	s23 =	sadd.s32 s4, s1  }
0x117: {  	[tilespmem:s7], [sflag:$0x2] =	stream.linear.gather [hbm4b:s23+s2], $0x80, $0x38;
	[tilespmem:$0xC800] =	vst v63  }
0x118: {  	s3 =	spop (v2sf)  }
0x119: {  	s25 =	sand.u32 $0x1FFFFFF0, s3;
	s26 =	spop (v2sf)  }
0x11a: {  	s29 =	sadd.s32 s4, s25;
	s30 =	sand.u32 $0x1FFFFFF0, s26;
	s31 =	spop (v2sf)  }
0x11b: {  	[tilespmem:s6], [sflag:$0x3] =	stream.linear.gather [hbm4b:s29+s2], $0x80, $0x38;
	[tilespmem:$0xC800] =	vst v63  }
0x11c: {  	s6 =	sadd.s32 s28, s30;
	s7 =	sand.u32 $0x1FFFFFF0, s31;
	s8 =	spop (v2sf)  }
0x11d: {  	[tilespmem:s11], [sflag:$0x1] =	stream.linear.gather [hbm4b:s6+s2], $0x80, $0x38;
	[tilespmem:$0xC800] =	vst v63  }
0x11e: {  	s13 =	sadd.s32 s4, s7;
	s14 =	sand.u32 $0x1FFFFFF0, s8;
	s15 =	spop (v2sf)  }
0x11f: {  	[tilespmem:s5], [sflag:$0x2] =	stream.linear.gather [hbm4b:s13+s2], $0x80, $0x38;
	[tilespmem:$0xC800] =	vst v63  }
0x120: {  	s16 =	sadd.s32 s4, s14;
	s17 =	sand.u32 $0x1FFFFFF0, s15;
	s18 =	spop (v2sf)  }
0x121: {  	[tilespmem:s10], [sflag:$0x3] =	stream.linear.gather [hbm4b:s16+s2], $0x80, $0x38;
	[tilespmem:$0xC800] =	vst v63  }
0x122: {  	s19 =	sadd.s32 s28, s17;
	s20 =	sand.u32 $0x1FFFFFF0, s18;
	s21 =	spop (v2sf)  }
0x123: {  	[tilespmem:s9], [sflag:$0x1] =	stream.linear.gather [hbm4b:s19+s2], $0x80, $0x38;
	[tilespmem:$0xC800] =	vst v63  }
0x124: {  	s22 =	sadd.s32 s4, s20;
	s23 =	sand.u32 $0x1FFFFFF0, s21  }
0x125: {  	[tilespmem:s12], [sflag:$0x2] =	stream.linear.gather [hbm4b:s22+s2], $0x80, $0x38;
	[tilespmem:$0xC800] =	vst v63  }
0x126: {  	s24 =	sadd.s32 $0x8D80, s24;
	s25 =	simm.s32 $0x1;
	s1 =	sadd.s32 s4, s23  }
0x127: {  	[tilespmem:s24], [sflag:$0x3] =	stream.linear.gather [hbm4b:s1+s2], $0x80, $0x38;
	[tilespmem:$0xC800] =	vst v63  }
0x128: {  	s26 =	simm.s32 $0x0;
	_ =	swait.ge [sflag:s25], $0x4000  }
0x129: {  	v1 =	vmov s26;
	[sflag:s25] =	ssyncset.done $0x0  }
0x12a: {  	s29 =	simm.s32 $0x2;
	v1 =	vshll.u32 v1, $0x7;
	[sflag:s25] =	ssyncadd.s32 $0xFFFFC000  }
0x12b: {  	v6 =	vor.u32 v0, v1;
	_ =	swait.ge [sflag:s29], $0x4000  }
0x12c: {  	v4 =	vor.u32 $0x1E, v6;
	[sflag:s29] =	ssyncset.done $0x0  }
0x12d: {  	s30 =	simm.s32 $0x3;
	v10 =	vor.u32 $0x1B, v6;
	[sflag:s29] =	ssyncadd.s32 $0xFFFFC000  }
0x12e: {  	v12 =	vor.u32 $0x1A, v6;
	_ =	swait.ge [sflag:s30], $0x4000  }
0x12f: {  	v13 =	vor.u32 $0x19, v6;
	[sflag:s30] =	ssyncset.done $0x0  }
0x130: {  	v15 =	vor.u32 $0x18, v6;
	s1 =	simm.s32 $0x600;
	[sflag:s30] =	ssyncadd.s32 $0xFFFFC000  }
0x131: {  	v17 =	vor.u32 $0x17, v6;
	v1 =	vld.idx.msk [tilespmem:v4+s1+$0x0], $0xffff  }
0x132: {  	v19 =	vor.u32 $0x16, v6;
	v7 =	vld.idx.msk [tilespmem:v10+s1+$0x0], $0xffff  }
0x133: {  	v21 =	vor.u32 $0x15, v6;
	v9 =	vld.idx.msk [tilespmem:v12+s1+$0x0], $0xffff  }
0x134: {  	v23 =	vor.u32 $0x14, v6;
	v11 =	vld.idx.msk [tilespmem:v13+s1+$0x0], $0xffff  }
0x135: {  	v25 =	vor.u32 $0x13, v6;
	v14 =	vld.idx.msk [tilespmem:v15+s1+$0x0], $0xffff  }
0x136: {  	v27 =	vor.u32 $0x12, v6;
	v16 =	vld.idx.msk [tilespmem:v17+s1+$0x0], $0xffff  }
0x137: {  	v28 =	vor.u32 $0x11, v6;
	v18 =	vld.idx.msk [tilespmem:v19+s1+$0x0], $0xffff  }
0x138: {  	v29 =	vor.u32 $0x10, v6;
	v20 =	vld.idx.msk [tilespmem:v21+s1+$0x0], $0xffff  }
0x139: {  	v30 =	vor.u32 $0xF, v6;
	v22 =	vld.idx.msk [tilespmem:v23+s1+$0x0], $0xffff  }
0x13a: {  	v31 =	vor.u32 $0xE, v6;
	v24 =	vld.idx.msk [tilespmem:v25+s1+$0x0], $0xffff  }
0x13b: {  	v32 =	vor.u32 $0xD, v6;
	v26 =	vld.idx.msk [tilespmem:v27+s1+$0x0], $0xffff  }
0x13c: {  	v33 =	vor.u32 $0xC, v6;
	v34 =	vld.idx.msk [tilespmem:v28+s1+$0x0], $0xffff  }
0x13d: {  	v35 =	vor.u32 $0xB, v6;
	v36 =	vld.idx.msk [tilespmem:v29+s1+$0x0], $0xffff  }
0x13e: {  	v37 =	vor.u32 $0xA, v6;
	v38 =	vld.idx.msk [tilespmem:v30+s1+$0x0], $0xffff  }
0x13f: {  	v39 =	vor.u32 $0x9, v6;
	v40 =	vld.idx.msk [tilespmem:v31+s1+$0x0], $0xffff  }
0x140: {  	v41 =	vor.u32 $0x8, v6;
	v42 =	vld.idx.msk [tilespmem:v32+s1+$0x0], $0xffff  }
0x141: {  	v43 =	vor.u32 $0x7, v6;
	v44 =	vld.idx.msk [tilespmem:v33+s1+$0x0], $0xffff  }
0x142: {  	v46 =	vor.u32 $0x3, v6;
	v45 =	vld.idx.msk [tilespmem:v35+s1+$0x0], $0xffff  }
0x143: {  	v48 =	vor.u32 $0x2, v6;
	v47 =	vld.idx.msk [tilespmem:v37+s1+$0x0], $0xffff  }
0x144: {  	v50 =	vor.u32 $0x1, v6;
	v49 =	vld.idx.msk [tilespmem:v39+s1+$0x0], $0xffff  }
0x145: {  	v5 =	vor.u32 $0x1D, v6;
	v51 =	vld.idx.msk [tilespmem:v41+s1+$0x0], $0xffff  }
0x146: {  	v52 =	vld.idx.msk [tilespmem:v43+s1+$0x0], $0xffff  }
0x147: {  	v53 =	vld.idx.msk [tilespmem:v46+s1+$0x0], $0xffff  }
0x148: {  	v54 =	vld.idx.msk [tilespmem:v48+s1+$0x0], $0xffff  }
0x149: {  	v55 =	vld.idx.msk [tilespmem:v50+s1+$0x0], $0xffff  }
0x14a: {  	v8 =	vor.u32 $0x1C, v6;
	[tilespmem:$0x1FFC0] =	vst v1;
	v1 =	vld.idx.msk [tilespmem:v5+s1+$0x0], $0xffff  }
0x14b: {  	s3 =	simm.s32 $0x4600;
	v56 =	vld.idx.msk [tilespmem:v6+s1+$0x0], $0xffff  }
0x14c: {  	s6 =	simm.s32 $0x8600;
	v57 =	vld.idx.msk [tilespmem:v6+s3+$0x0], $0xffff  }
0x14d: {  	v58 =	vld.idx.msk [tilespmem:v6+s6+$0x0], $0xffff  }
0x14e: {  	v59 =	vld.idx.msk [tilespmem:v50+s3+$0x0], $0xffff  }
0x14f: {  	[tilespmem:$0x1FFB0] =	vst v1;
	v1 =	vld.idx.msk [tilespmem:v8+s1+$0x0], $0xffff  }
0x150: {  	v60 =	vor.u32 $0x6, v6;
	v50 =	vld.idx.msk [tilespmem:v50+s6+$0x0], $0xffff  }
0x151: {  	v61 =	vor.u32 $0x4, v6;
	v62 =	vld.idx.msk [tilespmem:v48+s3+$0x0], $0xffff  }
0x152: {  	v48 =	vld.idx.msk [tilespmem:v48+s6+$0x0], $0xffff  }
0x153: {  	v63 =	vld.idx.msk [tilespmem:v46+s3+$0x0], $0xffff  }
0x154: {  	v46 =	vld.idx.msk [tilespmem:v46+s6+$0x0], $0xffff;
	[tilespmem:$0x1FFA0] =	vst v1;
	v1 =	vor.u32 $0x5, v6  }
0x155: {  	v3 =	vld.idx.msk [tilespmem:v60+s1+$0x0], $0xffff  }
0x156: {  	v2 =	vld.idx.msk [tilespmem:v61+s3+$0x0], $0xffff;
	v57 =	vsub.f32 v57, v58  }
0x157: {  	v58 =	vld.idx.msk [tilespmem:v61+s1+$0x0], $0xffff  }
0x158: {  	v50 =	vsub.f32 v59, v50;
	v56 =	vmul.f32 v57, v56;
	v57 =	vld.idx.msk [tilespmem:v61+s6+$0x0], $0xffff  }
0x159: {  	v59 =	vld.idx.msk [tilespmem:v1+s1+$0x0], $0xffff  }
0x15a: {  	v48 =	vsub.f32 v62, v48;
	v50 =	vmul.f32 v50, v55;
	v56 =	vadd.f32 $0.0e+00, v56;
	v61 =	vld.idx.msk [tilespmem:v1+s3+$0x0], $0xffff  }
0x15b: {  	v1 =	vld.idx.msk [tilespmem:v1+s6+$0x0], $0xffff  }
0x15c: {  	v46 =	vsub.f32 v63, v46;
	v62 =	vld.idx.msk [tilespmem:v60+s3+$0x0], $0xffff;
	v48 =	vmul.f32 v48, v54;
	v50 =	vadd.f32 v50, v56  }
0x15d: {  	v63 =	vld.idx.msk [tilespmem:v60+s6+$0x0], $0xffff  }
0x15e: {  	v46 =	vmul.f32 v46, v53;
	v2 =	vsub.f32 v2, v57;
	v57 =	vld.idx.msk [tilespmem:v43+s3+$0x0], $0xffff;
	v48 =	vadd.f32 v48, v50  }
0x15f: {  	v43 =	vld.idx.msk [tilespmem:v43+s6+$0x0], $0xffff  }
0x160: {  	v60 =	vld.idx.msk [tilespmem:v41+s3+$0x0], $0xffff;
	v2 =	vmul.f32 v2, v58;
	v46 =	vadd.f32 v46, v48;
	v1 =	vsub.f32 v61, v1  }
0x161: {  	v41 =	vld.idx.msk [tilespmem:v41+s6+$0x0], $0xffff  }
0x162: {  	v62 =	vsub.f32 v62, v63;
	v2 =	vadd.f32 v2, v46;
	v61 =	vld.idx.msk [tilespmem:v39+s3+$0x0], $0xffff;
	v1 =	vmul.f32 v1, v59  }
0x163: {  	v39 =	vld.idx.msk [tilespmem:v39+s6+$0x0], $0xffff  }
0x164: {  	v63 =	vld.idx.msk [tilespmem:v37+s3+$0x0], $0xffff;
	v1 =	vadd.f32 v1, v2;
	v2 =	vmul.f32 v62, v3;
	v3 =	vsub.f32 v57, v43  }
0x165: {  	v37 =	vld.idx.msk [tilespmem:v37+s6+$0x0], $0xffff  }
0x166: {  	v57 =	vld.idx.msk [tilespmem:v35+s3+$0x0], $0xffff;
	v1 =	vadd.f32 v2, v1;
	v2 =	vmul.f32 v3, v52;
	v3 =	vsub.f32 v60, v41  }
0x167: {  	v35 =	vld.idx.msk [tilespmem:v35+s6+$0x0], $0xffff  }
0x168: {  	v58 =	vld.idx.msk [tilespmem:v33+s3+$0x0], $0xffff;
	v1 =	vadd.f32 v2, v1;
	v2 =	vmul.f32 v3, v51;
	v3 =	vsub.f32 v61, v39  }
0x169: {  	v33 =	vld.idx.msk [tilespmem:v33+s6+$0x0], $0xffff  }
0x16a: {  	v59 =	vld.idx.msk [tilespmem:v32+s3+$0x0], $0xffff;
	v1 =	vadd.f32 v2, v1;
	v2 =	vmul.f32 v3, v49;
	v3 =	vsub.f32 v63, v37  }
0x16b: {  	v32 =	vld.idx.msk [tilespmem:v32+s6+$0x0], $0xffff  }
0x16c: {  	v60 =	vld.idx.msk [tilespmem:v31+s3+$0x0], $0xffff;
	v1 =	vadd.f32 v2, v1;
	v2 =	vmul.f32 v3, v47;
	v3 =	vsub.f32 v57, v35  }
0x16d: {  	v31 =	vld.idx.msk [tilespmem:v31+s6+$0x0], $0xffff  }
0x16e: {  	v61 =	vld.idx.msk [tilespmem:v30+s3+$0x0], $0xffff;
	v1 =	vadd.f32 v2, v1;
	v2 =	vmul.f32 v3, v45;
	v3 =	vsub.f32 v58, v33  }
0x16f: {  	v30 =	vld.idx.msk [tilespmem:v30+s6+$0x0], $0xffff  }
0x170: {  	v62 =	vld.idx.msk [tilespmem:v29+s3+$0x0], $0xffff;
	v1 =	vadd.f32 v2, v1;
	v2 =	vmul.f32 v3, v44;
	v3 =	vsub.f32 v59, v32  }
0x171: {  	v29 =	vld.idx.msk [tilespmem:v29+s6+$0x0], $0xffff  }
0x172: {  	v63 =	vld.idx.msk [tilespmem:v28+s3+$0x0], $0xffff;
	v1 =	vadd.f32 v2, v1;
	v2 =	vmul.f32 v3, v42;
	v3 =	vsub.f32 v60, v31  }
0x173: {  	v28 =	vld.idx.msk [tilespmem:v28+s6+$0x0], $0xffff  }
0x174: {  	v31 =	vld.idx.msk [tilespmem:v27+s3+$0x0], $0xffff;
	v1 =	vadd.f32 v2, v1;
	v2 =	vmul.f32 v3, v40;
	v3 =	vsub.f32 v61, v30  }
0x175: {  	v27 =	vld.idx.msk [tilespmem:v27+s6+$0x0], $0xffff  }
0x176: {  	v30 =	vld.idx.msk [tilespmem:v25+s3+$0x0], $0xffff;
	v1 =	vadd.f32 v2, v1;
	v2 =	vmul.f32 v3, v38;
	v3 =	vsub.f32 v62, v29  }
0x177: {  	v25 =	vld.idx.msk [tilespmem:v25+s6+$0x0], $0xffff  }
0x178: {  	v29 =	vld.idx.msk [tilespmem:v23+s3+$0x0], $0xffff;
	v1 =	vadd.f32 v2, v1;
	v2 =	vmul.f32 v3, v36;
	v3 =	vsub.f32 v63, v28  }
0x179: {  	v23 =	vld.idx.msk [tilespmem:v23+s6+$0x0], $0xffff  }
0x17a: {  	v28 =	vld.idx.msk [tilespmem:v21+s3+$0x0], $0xffff;
	v1 =	vadd.f32 v2, v1;
	v2 =	vmul.f32 v3, v34;
	v3 =	vsub.f32 v31, v27  }
0x17b: {  	v21 =	vld.idx.msk [tilespmem:v21+s6+$0x0], $0xffff  }
0x17c: {  	v27 =	vld.idx.msk [tilespmem:v19+s3+$0x0], $0xffff;
	v1 =	vadd.f32 v2, v1;
	v2 =	vmul.f32 v3, v26;
	v3 =	vsub.f32 v30, v25  }
0x17d: {  	v19 =	vld.idx.msk [tilespmem:v19+s6+$0x0], $0xffff  }
0x17e: {  	v25 =	vld.idx.msk [tilespmem:v17+s3+$0x0], $0xffff;
	v1 =	vadd.f32 v2, v1;
	v2 =	vmul.f32 v3, v24;
	v3 =	vsub.f32 v29, v23  }
0x17f: {  	v17 =	vld.idx.msk [tilespmem:v17+s6+$0x0], $0xffff  }
0x180: {  	v23 =	vld.idx.msk [tilespmem:v15+s3+$0x0], $0xffff;
	v1 =	vadd.f32 v2, v1;
	v2 =	vmul.f32 v3, v22;
	v3 =	vsub.f32 v28, v21  }
0x181: {  	v15 =	vld.idx.msk [tilespmem:v15+s6+$0x0], $0xffff  }
0x182: {  	v21 =	vld.idx.msk [tilespmem:v13+s3+$0x0], $0xffff;
	v1 =	vadd.f32 v2, v1;
	v2 =	vmul.f32 v3, v20;
	v3 =	vsub.f32 v27, v19  }
0x183: {  	v13 =	vld.idx.msk [tilespmem:v13+s6+$0x0], $0xffff  }
0x184: {  	v19 =	vld.idx.msk [tilespmem:v12+s3+$0x0], $0xffff;
	v1 =	vadd.f32 v2, v1;
	v2 =	vmul.f32 v3, v18;
	v3 =	vsub.f32 v25, v17  }
0x185: {  	v12 =	vld.idx.msk [tilespmem:v12+s6+$0x0], $0xffff  }
0x186: {  	v17 =	vld.idx.msk [tilespmem:v10+s3+$0x0], $0xffff;
	v1 =	vadd.f32 v2, v1;
	v2 =	vmul.f32 v3, v16;
	v3 =	vsub.f32 v23, v15  }
0x187: {  	v10 =	vld.idx.msk [tilespmem:v10+s6+$0x0], $0xffff  }
0x188: {  	v1 =	vadd.f32 v2, v1;
	v2 =	vmul.f32 v3, v14;
	v3 =	vsub.f32 v21, v13;
	_ =	sdelay $0x1  }
0x189: {  	v1 =	vadd.f32 v2, v1;
	v2 =	vmul.f32 v3, v11;
	v3 =	vsub.f32 v19, v12;
	_ =	sdelay $0x1  }
0x18a: {  	v1 =	vadd.f32 v2, v1;
	v2 =	vmul.f32 v3, v9;
	v3 =	vsub.f32 v17, v10  }
0x18b: {  	v15 =	vld.idx.msk [tilespmem:v8+s3+$0x0], $0xffff  }
0x18c: {  	v8 =	vld.idx.msk [tilespmem:v8+s6+$0x0], $0xffff;
	v1 =	vadd.f32 v2, v1;
	v2 =	vmul.f32 v3, v7;
	_ =	sdelay $0x1  }
0x18d: {  	v1 =	vadd.f32 v2, v1;
	v2 =	vld [tilespmem:$0x1FFA0];
	_ =	sdelay $0x2  }
0x18e: {  	v3 =	vsub.f32 v15, v8  }
0x18f: {  	v13 =	vld.idx.msk [tilespmem:v5+s3+$0x0], $0xffff  }
0x190: {  	v5 =	vld.idx.msk [tilespmem:v5+s6+$0x0], $0xffff;
	v2 =	vmul.f32 v3, v2;
	_ =	sdelay $0x1  }
0x191: {  	v6 =	vor.u32 $0x1F, v6;
	v1 =	vadd.f32 v2, v1;
	v2 =	vld [tilespmem:$0x1FFB0];
	_ =	sdelay $0x2  }
0x192: {  	v11 =	vld.idx.msk [tilespmem:v4+s3+$0x0], $0xffff;
	v3 =	vsub.f32 v13, v5  }
0x193: {  	v4 =	vld.idx.msk [tilespmem:v4+s6+$0x0], $0xffff  }
0x194: {  	v9 =	vld.idx.msk [tilespmem:v6+s3+$0x0], $0xffff;
	v2 =	vmul.f32 v3, v2  }
0x195: {  	v7 =	vld.idx.msk [tilespmem:v6+s6+$0x0], $0xffff  }
0x196: {  	v1 =	vadd.f32 v2, v1;
	v2 =	vld [tilespmem:$0x1FFC0];
	_ =	sdelay $0x1  }
0x197: {  	v5 =	vld.idx.msk [tilespmem:v6+s1+$0x0], $0xffff  }
0x198: {  	s31 =	simm.s32 $0x10;
	v3 =	vsub.f32 v11, v4  }
0x199: {  	v6 =	vmov s31  }
0x19a: {  	v7 =	vsub.f32 v9, v7;
	v4 =	vshll.u32 v6, $0x7;
	v3 =	vmul.f32 v3, v2  }
0x19b: {  	v6 =	vor.u32 v0, v4  }
0x19c: {  	v2 =	vor.u32 $0x1E, v6;
	v1 =	vadd.f32 v3, v1;
	v3 =	vmul.f32 v7, v5  }
0x19d: {  	s5 =	sld [smem:$0x7F4];
	v5 =	vor.u32 $0x1D, v6  }
0x19e: {  	v10 =	vor.u32 $0x1B, v6;
	v1 =	vadd.f32 v3, v1  }
0x19f: {  	v12 =	vor.u32 $0x1A, v6  }
0x1a0: {  	v13 =	vor.u32 $0x19, v6;
	[tilespmem:s5+$0x0] =	vst v1  }
0x1a1: {  	v15 =	vor.u32 $0x18, v6;
	v63 =	vld.idx.msk [tilespmem:v2+s1+$0x0], $0xffff  }
0x1a2: {  	v17 =	vor.u32 $0x17, v6;
	v1 =	vld.idx.msk [tilespmem:v5+s1+$0x0], $0xffff  }
0x1a3: {  	v19 =	vor.u32 $0x16, v6;
	v8 =	vld.idx.msk [tilespmem:v10+s1+$0x0], $0xffff  }
0x1a4: {  	v21 =	vor.u32 $0x15, v6;
	v9 =	vld.idx.msk [tilespmem:v12+s1+$0x0], $0xffff  }
0x1a5: {  	v23 =	vor.u32 $0x14, v6;
	v11 =	vld.idx.msk [tilespmem:v13+s1+$0x0], $0xffff  }
0x1a6: {  	v25 =	vor.u32 $0x13, v6;
	v14 =	vld.idx.msk [tilespmem:v15+s1+$0x0], $0xffff  }
0x1a7: {  	v27 =	vor.u32 $0x12, v6;
	v16 =	vld.idx.msk [tilespmem:v17+s1+$0x0], $0xffff  }
0x1a8: {  	v29 =	vor.u32 $0x11, v6;
	v18 =	vld.idx.msk [tilespmem:v19+s1+$0x0], $0xffff  }
0x1a9: {  	v31 =	vor.u32 $0x10, v6;
	v20 =	vld.idx.msk [tilespmem:v21+s1+$0x0], $0xffff  }
0x1aa: {  	v33 =	vor.u32 $0xF, v6;
	v22 =	vld.idx.msk [tilespmem:v23+s1+$0x0], $0xffff  }
0x1ab: {  	v35 =	vor.u32 $0xE, v6;
	v24 =	vld.idx.msk [tilespmem:v25+s1+$0x0], $0xffff  }
0x1ac: {  	v37 =	vor.u32 $0xD, v6;
	v26 =	vld.idx.msk [tilespmem:v27+s1+$0x0], $0xffff  }
0x1ad: {  	v39 =	vor.u32 $0xC, v6;
	v28 =	vld.idx.msk [tilespmem:v29+s1+$0x0], $0xffff  }
0x1ae: {  	v41 =	vor.u32 $0xB, v6;
	v30 =	vld.idx.msk [tilespmem:v31+s1+$0x0], $0xffff  }
0x1af: {  	v43 =	vor.u32 $0xA, v6;
	v32 =	vld.idx.msk [tilespmem:v33+s1+$0x0], $0xffff  }
0x1b0: {  	v7 =	vor.u32 $0x1C, v6;
	v34 =	vld.idx.msk [tilespmem:v35+s1+$0x0], $0xffff  }
0x1b1: {  	v46 =	vor.u32 $0x9, v6;
	v36 =	vld.idx.msk [tilespmem:v37+s1+$0x0], $0xffff  }
0x1b2: {  	v48 =	vor.u32 $0x8, v6;
	v38 =	vld.idx.msk [tilespmem:v39+s1+$0x0], $0xffff  }
0x1b3: {  	v50 =	vor.u32 $0x7, v6;
	v40 =	vld.idx.msk [tilespmem:v41+s1+$0x0], $0xffff  }
0x1b4: {  	v52 =	vor.u32 $0x6, v6;
	v42 =	vld.idx.msk [tilespmem:v43+s1+$0x0], $0xffff  }
0x1b5: {  	v53 =	vor.u32 $0x5, v6;
	[tilespmem:$0x1FFD0] =	vst v1;
	v1 =	vld.idx.msk [tilespmem:v7+s1+$0x0], $0xffff  }
0x1b6: {  	v44 =	vld.idx.msk [tilespmem:v46+s1+$0x0], $0xffff  }
0x1b7: {  	v45 =	vld.idx.msk [tilespmem:v48+s1+$0x0], $0xffff  }
0x1b8: {  	v47 =	vld.idx.msk [tilespmem:v50+s1+$0x0], $0xffff  }
0x1b9: {  	v54 =	vor.u32 $0x4, v6;
	v49 =	vld.idx.msk [tilespmem:v52+s1+$0x0], $0xffff  }
0x1ba: {  	s0 =	simm.s32 $0x20;
	s24 =	smov.u32 s5;
	v55 =	vor.u32 $0x3, v6;
	v56 =	vor.u32 $0x2, v6;
	v57 =	vor.u32 $0x1, v6;
	v51 =	vld.idx.msk [tilespmem:v53+s1+$0x0], $0xffff;
	[tilespmem:$0x1FFE0] =	vst v1  }
.LBB2_5:
0x1bb: {  	_ =	sdelay $0x2  }
0x1bc: {  	v58 =	vld.idx.msk [tilespmem:v54+s1+$0x0], $0xffff  }
0x1bd: {  	v59 =	vld.idx.msk [tilespmem:v55+s1+$0x0], $0xffff  }
0x1be: {  	v60 =	vld.idx.msk [tilespmem:v56+s1+$0x0], $0xffff  }
0x1bf: {  	v61 =	vld.idx.msk [tilespmem:v57+s1+$0x0], $0xffff  }
0x1c0: {  	v62 =	vld.idx.msk [tilespmem:v6+s1+$0x0], $0xffff  }
0x1c1: {  	v0 =	vld.idx.msk [tilespmem:v6+s6+$0x0], $0xffff  }
0x1c2: {  	[tilespmem:$0x1FF90] =	vst v63;
	v63 =	vld.idx.msk [tilespmem:v6+s3+$0x0], $0xffff  }
0x1c3: {  	v1 =	vld.idx.msk [tilespmem:v57+s3+$0x0], $0xffff  }
0x1c4: {  	v57 =	vld.idx.msk [tilespmem:v57+s6+$0x0], $0xffff  }
0x1c5: {  	v3 =	vld.idx.msk [tilespmem:v56+s3+$0x0], $0xffff  }
0x1c6: {  	v56 =	vld.idx.msk [tilespmem:v56+s6+$0x0], $0xffff  }
0x1c7: {  	v4 =	vld.idx.msk [tilespmem:v55+s3+$0x0], $0xffff;
	v0 =	vsub.f32 v63, v0  }
0x1c8: {  	v55 =	vld.idx.msk [tilespmem:v55+s6+$0x0], $0xffff  }
0x1c9: {  	v1 =	vsub.f32 v1, v57;
	v63 =	vld.idx.msk [tilespmem:v54+s3+$0x0], $0xffff;
	v0 =	vmul.f32 v0, v62  }
0x1ca: {  	v54 =	vld.idx.msk [tilespmem:v54+s6+$0x0], $0xffff  }
0x1cb: {  	v57 =	vld.idx.msk [tilespmem:v53+s3+$0x0], $0xffff;
	v3 =	vsub.f32 v3, v56;
	v1 =	vmul.f32 v1, v61;
	v0 =	vadd.f32 $0.0e+00, v0  }
0x1cc: {  	v61 =	vld.idx.msk [tilespmem:v53+s6+$0x0], $0xffff  }
0x1cd: {  	v62 =	vld.idx.msk [tilespmem:v52+s3+$0x0], $0xffff;
	v0 =	vadd.f32 v1, v0;
	v1 =	vmul.f32 v3, v60;
	v3 =	vsub.f32 v4, v55  }
0x1ce: {  	v4 =	vld.idx.msk [tilespmem:v52+s6+$0x0], $0xffff  }
0x1cf: {  	v52 =	vld.idx.msk [tilespmem:v50+s3+$0x0], $0xffff;
	v0 =	vadd.f32 v1, v0;
	v1 =	vmul.f32 v3, v59;
	v3 =	vsub.f32 v63, v54  }
0x1d0: {  	v63 =	vld.idx.msk [tilespmem:v50+s6+$0x0], $0xffff  }
0x1d1: {  	v60 =	vld.idx.msk [tilespmem:v48+s6+$0x0], $0xffff;
	v0 =	vadd.f32 v1, v0;
	v1 =	vmul.f32 v3, v58;
	v3 =	vsub.f32 v57, v61  }
0x1d2: {  	v59 =	vld.idx.msk [tilespmem:v48+s3+$0x0], $0xffff  }
0x1d3: {  	v61 =	vld.idx.msk [tilespmem:v46+s3+$0x0], $0xffff;
	v0 =	vadd.f32 v1, v0;
	v1 =	vmul.f32 v3, v51;
	v3 =	vsub.f32 v62, v4  }
0x1d4: {  	v4 =	vld.idx.msk [tilespmem:v46+s6+$0x0], $0xffff  }
0x1d5: {  	v62 =	vld.idx.msk [tilespmem:v43+s3+$0x0], $0xffff;
	v0 =	vadd.f32 v1, v0;
	v1 =	vmul.f32 v3, v49;
	v3 =	vsub.f32 v52, v63  }
0x1d6: {  	v63 =	vld.idx.msk [tilespmem:v43+s6+$0x0], $0xffff  }
0x1d7: {  	v54 =	vld.idx.msk [tilespmem:v41+s6+$0x0], $0xffff;
	v0 =	vadd.f32 v1, v0;
	v1 =	vmul.f32 v3, v47;
	v3 =	vsub.f32 v59, v60  }
0x1d8: {  	v52 =	vld.idx.msk [tilespmem:v41+s3+$0x0], $0xffff  }
0x1d9: {  	v55 =	vld.idx.msk [tilespmem:v39+s3+$0x0], $0xffff;
	v0 =	vadd.f32 v1, v0;
	v1 =	vmul.f32 v3, v45;
	v3 =	vsub.f32 v61, v4  }
0x1da: {  	v4 =	vld.idx.msk [tilespmem:v39+s6+$0x0], $0xffff  }
0x1db: {  	v56 =	vld.idx.msk [tilespmem:v37+s3+$0x0], $0xffff;
	v0 =	vadd.f32 v1, v0;
	v1 =	vmul.f32 v3, v44;
	v3 =	vsub.f32 v62, v63  }
0x1dc: {  	v57 =	vld.idx.msk [tilespmem:v37+s6+$0x0], $0xffff  }
0x1dd: {  	v58 =	vld.idx.msk [tilespmem:v35+s3+$0x0], $0xffff;
	v0 =	vadd.f32 v1, v0;
	v1 =	vmul.f32 v3, v42;
	v3 =	vsub.f32 v52, v54  }
0x1de: {  	v59 =	vld.idx.msk [tilespmem:v35+s6+$0x0], $0xffff  }
0x1df: {  	v60 =	vld.idx.msk [tilespmem:v33+s3+$0x0], $0xffff;
	v0 =	vadd.f32 v1, v0;
	v1 =	vmul.f32 v3, v40;
	v3 =	vsub.f32 v55, v4  }
0x1e0: {  	v4 =	vld.idx.msk [tilespmem:v33+s6+$0x0], $0xffff  }
0x1e1: {  	v61 =	vld.idx.msk [tilespmem:v31+s3+$0x0], $0xffff;
	v0 =	vadd.f32 v1, v0;
	v1 =	vmul.f32 v3, v38;
	v3 =	vsub.f32 v56, v57  }
0x1e2: {  	v31 =	vld.idx.msk [tilespmem:v31+s6+$0x0], $0xffff  }
0x1e3: {  	v62 =	vld.idx.msk [tilespmem:v29+s3+$0x0], $0xffff;
	v0 =	vadd.f32 v1, v0;
	v1 =	vmul.f32 v3, v36;
	v3 =	vsub.f32 v58, v59  }
0x1e4: {  	v29 =	vld.idx.msk [tilespmem:v29+s6+$0x0], $0xffff  }
0x1e5: {  	v63 =	vld.idx.msk [tilespmem:v27+s3+$0x0], $0xffff;
	v0 =	vadd.f32 v1, v0;
	v1 =	vmul.f32 v3, v34;
	v3 =	vsub.f32 v60, v4  }
0x1e6: {  	v4 =	vld.idx.msk [tilespmem:v27+s6+$0x0], $0xffff  }
0x1e7: {  	v27 =	vld.idx.msk [tilespmem:v25+s3+$0x0], $0xffff;
	v0 =	vadd.f32 v1, v0;
	v1 =	vmul.f32 v3, v32;
	v3 =	vsub.f32 v61, v31  }
0x1e8: {  	v25 =	vld.idx.msk [tilespmem:v25+s6+$0x0], $0xffff  }
0x1e9: {  	v31 =	vld.idx.msk [tilespmem:v23+s3+$0x0], $0xffff;
	v0 =	vadd.f32 v1, v0;
	v1 =	vmul.f32 v3, v30;
	v3 =	vsub.f32 v62, v29  }
0x1ea: {  	v23 =	vld.idx.msk [tilespmem:v23+s6+$0x0], $0xffff  }
0x1eb: {  	v29 =	vld.idx.msk [tilespmem:v21+s3+$0x0], $0xffff;
	v0 =	vadd.f32 v1, v0;
	v1 =	vmul.f32 v3, v28;
	v3 =	vsub.f32 v63, v4  }
0x1ec: {  	v4 =	vld.idx.msk [tilespmem:v21+s6+$0x0], $0xffff  }
0x1ed: {  	v21 =	vld.idx.msk [tilespmem:v19+s3+$0x0], $0xffff;
	v0 =	vadd.f32 v1, v0;
	v1 =	vmul.f32 v3, v26;
	v3 =	vsub.f32 v27, v25  }
0x1ee: {  	v19 =	vld.idx.msk [tilespmem:v19+s6+$0x0], $0xffff  }
0x1ef: {  	v25 =	vld.idx.msk [tilespmem:v17+s3+$0x0], $0xffff;
	v0 =	vadd.f32 v1, v0;
	v1 =	vmul.f32 v3, v24;
	v3 =	vsub.f32 v31, v23  }
0x1f0: {  	v17 =	vld.idx.msk [tilespmem:v17+s6+$0x0], $0xffff  }
0x1f1: {  	v23 =	vld.idx.msk [tilespmem:v15+s3+$0x0], $0xffff;
	v0 =	vadd.f32 v1, v0;
	v1 =	vmul.f32 v3, v22;
	v3 =	vsub.f32 v29, v4  }
0x1f2: {  	v4 =	vld.idx.msk [tilespmem:v15+s6+$0x0], $0xffff  }
0x1f3: {  	v15 =	vld.idx.msk [tilespmem:v13+s3+$0x0], $0xffff;
	v0 =	vadd.f32 v1, v0;
	v1 =	vmul.f32 v3, v20;
	v3 =	vsub.f32 v21, v19  }
0x1f4: {  	v13 =	vld.idx.msk [tilespmem:v13+s6+$0x0], $0xffff  }
0x1f5: {  	v19 =	vld.idx.msk [tilespmem:v12+s3+$0x0], $0xffff;
	v0 =	vadd.f32 v1, v0;
	v1 =	vmul.f32 v3, v18;
	v3 =	vsub.f32 v25, v17  }
0x1f6: {  	v12 =	vld.idx.msk [tilespmem:v12+s6+$0x0], $0xffff  }
0x1f7: {  	v17 =	vld.idx.msk [tilespmem:v10+s3+$0x0], $0xffff;
	v0 =	vadd.f32 v1, v0;
	v1 =	vmul.f32 v3, v16;
	v3 =	vsub.f32 v23, v4  }
0x1f8: {  	v4 =	vld.idx.msk [tilespmem:v10+s6+$0x0], $0xffff  }
0x1f9: {  	v0 =	vadd.f32 v1, v0;
	v1 =	vmul.f32 v3, v14;
	v3 =	vsub.f32 v15, v13;
	_ =	sdelay $0x1  }
0x1fa: {  	v0 =	vadd.f32 v1, v0;
	v1 =	vmul.f32 v3, v11;
	v3 =	vsub.f32 v19, v12;
	_ =	sdelay $0x1  }
0x1fb: {  	v0 =	vadd.f32 v1, v0;
	v1 =	vmul.f32 v3, v9;
	v3 =	vsub.f32 v17, v4  }
0x1fc: {  	v10 =	vld.idx.msk [tilespmem:v7+s3+$0x0], $0xffff  }
0x1fd: {  	v7 =	vld.idx.msk [tilespmem:v7+s6+$0x0], $0xffff;
	v0 =	vadd.f32 v1, v0;
	v1 =	vmul.f32 v3, v8;
	_ =	sdelay $0x1  }
0x1fe: {  	v0 =	vadd.f32 v1, v0;
	v1 =	vld [tilespmem:$0x1FFE0];
	_ =	sdelay $0x2  }
0x1ff: {  	v3 =	vsub.f32 v10, v7  }
0x200: {  	v13 =	vld.idx.msk [tilespmem:v5+s3+$0x0], $0xffff  }
0x201: {  	v5 =	vld.idx.msk [tilespmem:v5+s6+$0x0], $0xffff;
	v1 =	vmul.f32 v3, v1;
	_ =	sdelay $0x1  }
0x202: {  	v0 =	vadd.f32 v1, v0;
	v1 =	vld [tilespmem:$0x1FFD0];
	_ =	sdelay $0x2  }
0x203: {  	v3 =	vsub.f32 v13, v5  }
0x204: {  	v11 =	vld.idx.msk [tilespmem:v2+s3+$0x0], $0xffff  }
0x205: {  	v6 =	vor.u32 $0x1F, v6;
	v2 =	vld.idx.msk [tilespmem:v2+s6+$0x0], $0xffff;
	v1 =	vmul.f32 v3, v1;
	_ =	sdelay $0x1  }
0x206: {  	v0 =	vadd.f32 v1, v0;
	v1 =	vld [tilespmem:$0x1FF90];
	_ =	sdelay $0x2  }
0x207: {  	v4 =	vld.idx.msk [tilespmem:v6+s3+$0x0], $0xffff;
	v2 =	vsub.f32 v11, v2  }
0x208: {  	v7 =	vld.idx.msk [tilespmem:v6+s6+$0x0], $0xffff  }
0x209: {  	v1 =	vmul.f32 v2, v1;
	v2 =	vld [tilespmem:$0x1FFF0]  }
0x20a: {  	v5 =	vld.idx.msk [tilespmem:v6+s1+$0x0], $0xffff;
	_ =	sdelay $0x1  }
0x20b: {  	v6 =	vmov s0  }
0x20c: {  	v4 =	vsub.f32 v4, v7;
	v3 =	vshll.u32 v6, $0x7  }
0x20d: {  	v6 =	vor.u32 v2, v3  }
0x20e: {  	v0 =	vadd.f32 v1, v0;
	v1 =	vmul.f32 v4, v5;
	v2 =	vor.u32 $0x1E, v6  }
0x20f: {  	v5 =	vor.u32 $0x1D, v6  }
0x210: {  	v0 =	vadd.f32 v1, v0;
	v10 =	vor.u32 $0x1B, v6  }
0x211: {  	s24 =	sadd.s32 $0x10, s24;
	v12 =	vor.u32 $0x1A, v6  }
0x212: {  	[tilespmem:s24+$0x0] =	vst v0;
	v13 =	vor.u32 $0x19, v6  }
0x213: {  	v15 =	vor.u32 $0x18, v6;
	v63 =	vld.idx.msk [tilespmem:v2+s1+$0x0], $0xffff  }
0x214: {  	v17 =	vor.u32 $0x17, v6;
	v0 =	vld.idx.msk [tilespmem:v5+s1+$0x0], $0xffff  }
0x215: {  	v19 =	vor.u32 $0x16, v6;
	v8 =	vld.idx.msk [tilespmem:v10+s1+$0x0], $0xffff  }
0x216: {  	v21 =	vor.u32 $0x15, v6;
	v9 =	vld.idx.msk [tilespmem:v12+s1+$0x0], $0xffff  }
0x217: {  	v23 =	vor.u32 $0x14, v6;
	v11 =	vld.idx.msk [tilespmem:v13+s1+$0x0], $0xffff  }
0x218: {  	v25 =	vor.u32 $0x13, v6;
	v14 =	vld.idx.msk [tilespmem:v15+s1+$0x0], $0xffff  }
0x219: {  	v27 =	vor.u32 $0x12, v6;
	v16 =	vld.idx.msk [tilespmem:v17+s1+$0x0], $0xffff  }
0x21a: {  	v29 =	vor.u32 $0x11, v6;
	v18 =	vld.idx.msk [tilespmem:v19+s1+$0x0], $0xffff  }
0x21b: {  	v31 =	vor.u32 $0x10, v6;
	v20 =	vld.idx.msk [tilespmem:v21+s1+$0x0], $0xffff  }
0x21c: {  	v33 =	vor.u32 $0xF, v6;
	v22 =	vld.idx.msk [tilespmem:v23+s1+$0x0], $0xffff  }
0x21d: {  	v35 =	vor.u32 $0xE, v6;
	v24 =	vld.idx.msk [tilespmem:v25+s1+$0x0], $0xffff  }
0x21e: {  	v37 =	vor.u32 $0xD, v6;
	v26 =	vld.idx.msk [tilespmem:v27+s1+$0x0], $0xffff  }
0x21f: {  	v39 =	vor.u32 $0xC, v6;
	v28 =	vld.idx.msk [tilespmem:v29+s1+$0x0], $0xffff  }
0x220: {  	v41 =	vor.u32 $0xB, v6;
	v30 =	vld.idx.msk [tilespmem:v31+s1+$0x0], $0xffff  }
0x221: {  	v43 =	vor.u32 $0xA, v6;
	v32 =	vld.idx.msk [tilespmem:v33+s1+$0x0], $0xffff  }
0x222: {  	v7 =	vor.u32 $0x1C, v6;
	v34 =	vld.idx.msk [tilespmem:v35+s1+$0x0], $0xffff  }
0x223: {  	v46 =	vor.u32 $0x9, v6;
	v36 =	vld.idx.msk [tilespmem:v37+s1+$0x0], $0xffff  }
0x224: {  	v48 =	vor.u32 $0x8, v6;
	v38 =	vld.idx.msk [tilespmem:v39+s1+$0x0], $0xffff  }
0x225: {  	v50 =	vor.u32 $0x7, v6;
	v40 =	vld.idx.msk [tilespmem:v41+s1+$0x0], $0xffff  }
0x226: {  	v52 =	vor.u32 $0x6, v6;
	v42 =	vld.idx.msk [tilespmem:v43+s1+$0x0], $0xffff  }
0x227: {  	p0 =	sne.s32 s0, $0x70;
	v53 =	vor.u32 $0x5, v6;
	[tilespmem:$0x1FFD0] =	vst v0;
	v0 =	vld.idx.msk [tilespmem:v7+s1+$0x0], $0xffff  }
.Ltmp1:
0x228: {  	v44 =	vld.idx.msk [tilespmem:v46+s1+$0x0], $0xffff;
	(pc) =	sbr.rel @p0 .LBB2_5-.Ltmp1, $4  }
0x229: {  	v45 =	vld.idx.msk [tilespmem:v48+s1+$0x0], $0xffff  }
0x22a: {  	v47 =	vld.idx.msk [tilespmem:v50+s1+$0x0], $0xffff  }
0x22b: {  	v54 =	vor.u32 $0x4, v6;
	v49 =	vld.idx.msk [tilespmem:v52+s1+$0x0], $0xffff  }
0x22c: {  	s0 =	sadd.s32 $0x10, s0;
	v55 =	vor.u32 $0x3, v6;
	v56 =	vor.u32 $0x2, v6;
	v57 =	vor.u32 $0x1, v6;
	v51 =	vld.idx.msk [tilespmem:v53+s1+$0x0], $0xffff;
	[tilespmem:$0x1FFE0] =	vst v0  }
0x22d: {  	_ =	sdelay $0x3  }
0x22e: {  	v0 =	vld.idx.msk [tilespmem:v56+s1+$0x0], $0xffff  }
0x22f: {  	v1 =	vld.idx.msk [tilespmem:v57+s1+$0x0], $0xffff  }
0x230: {  	v3 =	vld.idx.msk [tilespmem:v6+s1+$0x0], $0xffff  }
0x231: {  	v4 =	vld.idx.msk [tilespmem:v6+s3+$0x0], $0xffff  }
0x232: {  	v58 =	vld.idx.msk [tilespmem:v6+s6+$0x0], $0xffff  }
0x233: {  	v59 =	vld.idx.msk [tilespmem:v57+s3+$0x0], $0xffff  }
0x234: {  	v57 =	vld.idx.msk [tilespmem:v57+s6+$0x0], $0xffff  }
0x235: {  	v60 =	vld.idx.msk [tilespmem:v56+s3+$0x0], $0xffff  }
0x236: {  	v56 =	vld.idx.msk [tilespmem:v56+s6+$0x0], $0xffff  }
0x237: {  	v61 =	vld.idx.msk [tilespmem:v55+s1+$0x0], $0xffff  }
0x238: {  	v62 =	vld.idx.msk [tilespmem:v55+s3+$0x0], $0xffff  }
0x239: {  	v55 =	vld.idx.msk [tilespmem:v55+s6+$0x0], $0xffff;
	v4 =	vsub.f32 v4, v58  }
0x23a: {  	v58 =	vld.idx.msk [tilespmem:v54+s1+$0x0], $0xffff  }
0x23b: {  	v3 =	vmul.f32 v4, v3;
	v4 =	vsub.f32 v59, v57;
	v57 =	vld.idx.msk [tilespmem:v54+s3+$0x0], $0xffff  }
0x23c: {  	v54 =	vld.idx.msk [tilespmem:v54+s6+$0x0], $0xffff  }
0x23d: {  	v60 =	vsub.f32 v60, v56;
	v56 =	vld.idx.msk [tilespmem:v53+s3+$0x0], $0xffff;
	v1 =	vmul.f32 v4, v1;
	v3 =	vadd.f32 $0.0e+00, v3  }
0x23e: {  	v53 =	vld.idx.msk [tilespmem:v53+s6+$0x0], $0xffff  }
0x23f: {  	v0 =	vmul.f32 v60, v0;
	v59 =	vld.idx.msk [tilespmem:v52+s3+$0x0], $0xffff;
	v1 =	vadd.f32 v1, v3;
	v3 =	vsub.f32 v62, v55  }
0x240: {  	v60 =	vld.idx.msk [tilespmem:v52+s6+$0x0], $0xffff  }
0x241: {  	v62 =	vld.idx.msk [tilespmem:v50+s6+$0x0], $0xffff;
	v0 =	vadd.f32 v0, v1;
	v1 =	vmul.f32 v3, v61;
	v3 =	vsub.f32 v57, v54  }
0x242: {  	v61 =	vld.idx.msk [tilespmem:v50+s3+$0x0], $0xffff  }
0x243: {  	v57 =	vld.idx.msk [tilespmem:v48+s3+$0x0], $0xffff;
	v0 =	vadd.f32 v1, v0;
	v1 =	vmul.f32 v3, v58;
	v3 =	vsub.f32 v56, v53  }
0x244: {  	v58 =	vld.idx.msk [tilespmem:v48+s6+$0x0], $0xffff  }
0x245: {  	v0 =	vadd.f32 v1, v0;
	v1 =	vmul.f32 v3, v51;
	v3 =	vsub.f32 v59, v60;
	v59 =	vld.idx.msk [tilespmem:v46+s3+$0x0], $0xffff  }
0x246: {  	v60 =	vld.idx.msk [tilespmem:v46+s6+$0x0], $0xffff  }
0x247: {  	v0 =	vadd.f32 v1, v0;
	v1 =	vmul.f32 v3, v49;
	v3 =	vsub.f32 v61, v62;
	v61 =	vld.idx.msk [tilespmem:v43+s3+$0x0], $0xffff  }
0x248: {  	v62 =	vld.idx.msk [tilespmem:v43+s6+$0x0], $0xffff  }
0x249: {  	v50 =	vld.idx.msk [tilespmem:v41+s6+$0x0], $0xffff;
	v0 =	vadd.f32 v1, v0;
	v1 =	vmul.f32 v3, v47;
	v3 =	vsub.f32 v57, v58  }
0x24a: {  	v48 =	vld.idx.msk [tilespmem:v41+s3+$0x0], $0xffff  }
0x24b: {  	v52 =	vld.idx.msk [tilespmem:v39+s6+$0x0], $0xffff;
	v0 =	vadd.f32 v1, v0;
	v1 =	vmul.f32 v3, v45;
	v3 =	vsub.f32 v59, v60  }
0x24c: {  	v51 =	vld.idx.msk [tilespmem:v39+s3+$0x0], $0xffff  }
0x24d: {  	v54 =	vld.idx.msk [tilespmem:v37+s6+$0x0], $0xffff;
	v0 =	vadd.f32 v1, v0;
	v1 =	vmul.f32 v3, v44;
	v3 =	vsub.f32 v61, v62  }
0x24e: {  	v53 =	vld.idx.msk [tilespmem:v37+s3+$0x0], $0xffff  }
0x24f: {  	v55 =	vld.idx.msk [tilespmem:v35+s3+$0x0], $0xffff;
	v0 =	vadd.f32 v1, v0;
	v1 =	vmul.f32 v3, v42;
	v3 =	vsub.f32 v48, v50  }
0x250: {  	v56 =	vld.idx.msk [tilespmem:v35+s6+$0x0], $0xffff  }
0x251: {  	v57 =	vld.idx.msk [tilespmem:v33+s3+$0x0], $0xffff;
	v0 =	vadd.f32 v1, v0;
	v1 =	vmul.f32 v3, v40;
	v3 =	vsub.f32 v51, v52  }
0x252: {  	v58 =	vld.idx.msk [tilespmem:v33+s6+$0x0], $0xffff  }
0x253: {  	v59 =	vld.idx.msk [tilespmem:v31+s3+$0x0], $0xffff;
	v0 =	vadd.f32 v1, v0;
	v1 =	vmul.f32 v3, v38;
	v3 =	vsub.f32 v53, v54  }
0x254: {  	v60 =	vld.idx.msk [tilespmem:v31+s6+$0x0], $0xffff  }
0x255: {  	v61 =	vld.idx.msk [tilespmem:v29+s3+$0x0], $0xffff;
	v0 =	vadd.f32 v1, v0;
	v1 =	vmul.f32 v3, v36;
	v3 =	vsub.f32 v55, v56  }
0x256: {  	v62 =	vld.idx.msk [tilespmem:v29+s6+$0x0], $0xffff  }
0x257: {  	v36 =	vld.idx.msk [tilespmem:v27+s6+$0x0], $0xffff;
	v0 =	vadd.f32 v1, v0;
	v1 =	vmul.f32 v3, v34;
	v3 =	vsub.f32 v57, v58  }
0x258: {  	v34 =	vld.idx.msk [tilespmem:v27+s3+$0x0], $0xffff  }
0x259: {  	v39 =	vld.idx.msk [tilespmem:v25+s6+$0x0], $0xffff;
	v0 =	vadd.f32 v1, v0;
	v1 =	vmul.f32 v3, v32;
	v3 =	vsub.f32 v59, v60  }
0x25a: {  	v38 =	vld.idx.msk [tilespmem:v25+s3+$0x0], $0xffff  }
0x25b: {  	v41 =	vld.idx.msk [tilespmem:v23+s6+$0x0], $0xffff;
	v0 =	vadd.f32 v1, v0;
	v1 =	vmul.f32 v3, v30;
	v3 =	vsub.f32 v61, v62  }
0x25c: {  	v40 =	vld.idx.msk [tilespmem:v23+s3+$0x0], $0xffff  }
0x25d: {  	v43 =	vld.idx.msk [tilespmem:v21+s6+$0x0], $0xffff;
	v0 =	vadd.f32 v1, v0;
	v1 =	vmul.f32 v3, v28;
	v3 =	vsub.f32 v34, v36  }
0x25e: {  	v42 =	vld.idx.msk [tilespmem:v21+s3+$0x0], $0xffff  }
0x25f: {  	v45 =	vld.idx.msk [tilespmem:v19+s6+$0x0], $0xffff;
	v0 =	vadd.f32 v1, v0;
	v1 =	vmul.f32 v3, v26;
	v3 =	vsub.f32 v38, v39  }
0x260: {  	v44 =	vld.idx.msk [tilespmem:v19+s3+$0x0], $0xffff  }
0x261: {  	v46 =	vld.idx.msk [tilespmem:v17+s3+$0x0], $0xffff;
	v0 =	vadd.f32 v1, v0;
	v1 =	vmul.f32 v3, v24;
	v3 =	vsub.f32 v40, v41  }
0x262: {  	v47 =	vld.idx.msk [tilespmem:v17+s6+$0x0], $0xffff  }
0x263: {  	v49 =	vld.idx.msk [tilespmem:v15+s6+$0x0], $0xffff;
	v0 =	vadd.f32 v1, v0;
	v1 =	vmul.f32 v3, v22;
	v3 =	vsub.f32 v42, v43  }
0x264: {  	v48 =	vld.idx.msk [tilespmem:v15+s3+$0x0], $0xffff  }
0x265: {  	v50 =	vld.idx.msk [tilespmem:v13+s3+$0x0], $0xffff;
	v0 =	vadd.f32 v1, v0;
	v1 =	vmul.f32 v3, v20;
	v3 =	vsub.f32 v44, v45  }
0x266: {  	v51 =	vld.idx.msk [tilespmem:v13+s6+$0x0], $0xffff  }
0x267: {  	v52 =	vld.idx.msk [tilespmem:v12+s3+$0x0], $0xffff;
	v0 =	vadd.f32 v1, v0;
	v1 =	vmul.f32 v3, v18;
	v3 =	vsub.f32 v46, v47  }
0x268: {  	v53 =	vld.idx.msk [tilespmem:v12+s6+$0x0], $0xffff  }
0x269: {  	v54 =	vld.idx.msk [tilespmem:v10+s3+$0x0], $0xffff;
	v0 =	vadd.f32 v1, v0;
	v1 =	vmul.f32 v3, v16;
	v3 =	vsub.f32 v48, v49  }
0x26a: {  	v55 =	vld.idx.msk [tilespmem:v10+s6+$0x0], $0xffff  }
0x26b: {  	v0 =	vadd.f32 v1, v0;
	v1 =	vmul.f32 v3, v14;
	v3 =	vsub.f32 v50, v51;
	_ =	sdelay $0x1  }
0x26c: {  	v0 =	vadd.f32 v1, v0;
	v1 =	vmul.f32 v3, v11;
	v3 =	vsub.f32 v52, v53;
	_ =	sdelay $0x1  }
0x26d: {  	v0 =	vadd.f32 v1, v0;
	v1 =	vmul.f32 v3, v9;
	v3 =	vsub.f32 v54, v55  }
0x26e: {  	v56 =	vld.idx.msk [tilespmem:v7+s3+$0x0], $0xffff  }
0x26f: {  	v58 =	vld.idx.msk [tilespmem:v7+s6+$0x0], $0xffff;
	v0 =	vadd.f32 v1, v0;
	v1 =	vmul.f32 v3, v8;
	_ =	sdelay $0x1  }
0x270: {  	v0 =	vadd.f32 v1, v0;
	v1 =	vld [tilespmem:$0x1FFE0];
	_ =	sdelay $0x2  }
0x271: {  	v57 =	vor.u32 $0x1F, v6;
	v59 =	vld.idx.msk [tilespmem:v5+s3+$0x0], $0xffff;
	v7 =	vsub.f32 v56, v58  }
0x272: {  	v60 =	vld.idx.msk [tilespmem:v5+s6+$0x0], $0xffff  }
0x273: {  	v61 =	vld.idx.msk [tilespmem:v2+s3+$0x0], $0xffff;
	v1 =	vmul.f32 v7, v1  }
0x274: {  	v2 =	vld.idx.msk [tilespmem:v2+s6+$0x0], $0xffff  }
0x275: {  	v0 =	vadd.f32 v1, v0;
	v1 =	vld [tilespmem:$0x1FFD0]  }
0x276: {  	v62 =	vld.idx.msk [tilespmem:v57+s6+$0x0], $0xffff  }
0x277: {  	v3 =	vld.idx.msk [tilespmem:v57+s3+$0x0], $0xffff  }
0x278: {  	v5 =	vsub.f32 v59, v60  }
0x279: {  	s29 =	sld [smem:$0x7F3];
	v6 =	vld.idx.msk [tilespmem:v57+s1+$0x0], $0xffff  }
0x27a: {  	v2 =	vsub.f32 v61, v2;
	v1 =	vmul.f32 v5, v1;
	_ =	sdelay $0x1  }
0x27b: {  	s1 =	sadd.s32 $0x1, s29;
	v0 =	vadd.f32 v1, v0;
	v1 =	vmul.f32 v2, v63;
	v2 =	vsub.f32 v3, v62  }
0x27c: {  	s15 =	sld [smem:$0x7F7];
	p0 =	sne.s32 s1, $0x4  }
.Ltmp2:
0x27d: {  	s30 =	sld [smem:$0x7F5];
	v0 =	vadd.f32 v1, v0;
	v1 =	vmul.f32 v2, v6;
	(pc) =	sbr.rel @p0 .LBB2_2-.Ltmp2, $4  }
0x27e: {  	s31 =	sld [smem:$0x7F6]  }
0x27f: {  	v0 =	vadd.f32 v1, v0  }
0x280: {  	s0 =	sadd.s32 $0x10, s24;
	s5 =	sadd.s32 $0x80, s5  }
0x281: {  	s15 =	sadd.s32 $0x80, s15;
	s3 =	sadd.s32 $0x80, s30;
	[tilespmem:s0+$0x0] =	vst v0;
	s0 =	sadd.s32 $0x80, s31;
	v0 =	vld [tilespmem:$0x1FFF0]  }
0x282: {  	s0 =	sld [smem:$0x7FC];
	_ =	sdelay $0x1  }
0x283: {  	s1 =	simm.s32 $0xC600  }
0x284: {  	[hbm4b:s0+s2] =	stream.linear.scatter [tilespmem:s1], [sflag:$0x4], $0x200, $0x38;
	[tilespmem:$0xC800] =	vst v63  }
0x285: {  	s1 =	simm.s32 $0x4  }
0x286: {  	_ =	swait.ge [sflag:s1], $0x200  }
0x287: {  	s3 =	sld [smem:$0x7F8]  }
0x288: {  	s31 =	sld [smem:$0x7FD];
	_ =	sdelay $0x1  }
0x289: {  	s3 =	sadd.s32 $0x1, s3  }
0x28a: {  	p0 =	sne.s32 s3, s31  }
.Ltmp3:
0x28b: {  	_ = 	snop;
	(pc) =	sbr.rel @p0 .LBB2_1-.Ltmp3, $3  }
0x28c: {  	_ =	sdelay $0x1  }
0x28d: {  	[sflag:s1] =	ssyncset.done $0x0  }
0x28e: {  	[sflag:s1] =	ssyncadd.s32 $0xFFFFFE00  }
0x28f: {  	_ =	sfence.sel $0x180000  }
0x290: {  	[bflag:$0x0] =	sbarrier.arrive $0xFFFF  }
0x291: {  	_ =	strace $0x90000047  }
0x292: {  	s0 =	stileid.u32;
	[bflag:$0x2] =	sbarrier.arrive $0xFFFF  }
0x293: {  	p0 =	sne.s32 s0, $0x0;
	s0 =	rddreg [dreg:$0x4]  }
0x294: {  	s0 =	sadd.s32 @!p0 $0x100000, s0  }
0x295: {  	[sflag:s0] =	ssyncadd.tile.s32 @!p0 $0x1;
	_ =	shalt  }
.Lfunc_end2:
_tile_overlayer_lowered:
.L_overlay_start_2:
0x296: {  	(tag) =	ssettag $0x2  }
0x297: {  	s0 =	rddreg [dreg:$0x0];
	s2 =	stileid.u32  }
0x298: {  	s1 =	rddreg [dreg:$0x1];
	p0 =	sne.s32 s2, $0x0  }
0x299: {  	s3 =	rddreg [dreg:$0x2];
	[bflag:$0x3] =	sbarrier.arrive $0xFFFF;
	s2 =	simm.s32 @!p0 $0x1C04  }
0x29a: {  	[timem:s3], [sflag:s2] =	dma.local @!p0 [hbm:s0], s1  }
0x29b: {  	s0 =	simm.s32 @!p0 $0x4  }
0x29c: {  	_ =	swait.ge @!p0 [sflag:s0], s1  }
0x29d: {  	s1 =	ssub.s32 @!p0 $0x0, s1;
	[sflag:s0] =	ssyncset.done @!p0 $0x0  }
0x29e: {  	[sflag:s0] =	ssyncadd.s32 @!p0 s1  }
0x29f: {  	[bflag:$0x3] =	sbarrier.arrive $0xFFFF  }
0x2a0: {  	_ =	shalt  }

</sc_bundles>
